<compile_context>
chip_gen: v7x
topology: tpu7x:2x2x1
jax: 0.10.2.dev20260603
libtpu: 0.0.44.dev20260713+nightly
codegen_flags: <defaults>
</compile_context>

<pallas_src>
import functools

import jax
import jax.numpy as jnp
from jax import lax
from jax.experimental import pallas as pl
from jax.experimental.pallas import tpu as pltpu
from jax.experimental.pallas import tpu_sc as plsc

_BIG_I = 1 << 20
_NEG_F = -3.0e38


def _sc_routing(logits_hbm, params_hbm, ids_hbm, ws_hbm, permcnt_hbm,
                logv, idx_v, ws_v, par_v, ids_all_v, act_v, perm_v, sem):
    cid = lax.axis_index("c")
    sid = lax.axis_index("s")

    @pl.when(cid == 0)
    def _core0():
        lane = lax.iota(jnp.int32, 16)
        cp_p = pltpu.async_copy(params_hbm, par_v, sem)
        cp_l = pltpu.async_copy(logits_hbm.at[pl.ds(4 * sid, 4)], logv, sem)
        cp_p.wait()
        cp_l.wait()
        pv = par_v[...]
        top_k = jnp.max(jnp.where(lane == 0, pv, 0))
        renorm = jnp.max(jnp.where(lane == 1, pv, 0))

        acc_ids = lane + 64
        acc_num = jnp.zeros((16,), jnp.float32)
        acc_den = jnp.full((16,), 1.0, jnp.float32)
        for tt in range(4):
            v = [logv[tt, pl.ds(16 * i, 16)] for i in range(4)]
            gl = [lane + 16 * i for i in range(4)]
            m = jnp.float32(_NEG_F)
            for i in range(4):
                m = jnp.maximum(m, jnp.max(v[i]))
            e = [jnp.exp(v[i] - m) for i in range(4)]
            z = jnp.float32(0.0)
            for i in range(4):
                z = z + jnp.sum(e[i])
            a1 = jnp.int32(_BIG_I)
            for i in range(4):
                a1 = jnp.minimum(a1, jnp.min(jnp.where(v[i] == m, gl[i],
                                                       _BIG_I)))
            u = [jnp.where(gl[i] == a1, _NEG_F, v[i]) for i in range(4)]
            m2 = jnp.float32(_NEG_F)
            for i in range(4):
                m2 = jnp.maximum(m2, jnp.max(u[i]))
            a2 = jnp.int32(_BIG_I)
            for i in range(4):
                a2 = jnp.minimum(a2, jnp.min(jnp.where(u[i] == m2, gl[i],
                                                       _BIG_I)))
            p2raw = jnp.float32(0.0)
            for i in range(4):
                p2raw = p2raw + jnp.sum(jnp.where(gl[i] == a2, e[i], 0.0))
            num1 = jnp.where(top_k >= 1, jnp.float32(1.0), 0.0)
            num2 = jnp.where(top_k >= 2, p2raw, 0.0)
            den = jnp.where(renorm != 0, num1 + num2, z)
            acc_ids = jnp.where(lane == 2 * tt, a1, acc_ids)
            acc_ids = jnp.where(lane == 2 * tt + 1, a2, acc_ids)
            acc_num = jnp.where(lane == 2 * tt, num1, acc_num)
            acc_num = jnp.where(lane == 2 * tt + 1, num2, acc_num)
            acc_den = jnp.where(lane == 2 * tt, den, acc_den)
            acc_den = jnp.where(lane == 2 * tt + 1, den, acc_den)
        idx_v[...] = acc_ids
        ws_v[...] = acc_num / acc_den
        cp_i = pltpu.async_copy(idx_v.at[pl.ds(0, 8)],
                                ids_hbm.at[pl.ds(8 * sid, 8)], sem)
        cp_w = pltpu.async_copy(ws_v.at[pl.ds(0, 8)],
                                ws_hbm.at[pl.ds(8 * sid, 8)], sem)
        cp_i.wait()
        cp_w.wait()

        plsc.subcore_barrier()

        @pl.when(sid == 0)
        def _compact():
            pltpu.sync_copy(ids_hbm, ids_all_v)
            for i in range(4):
                act_v[pl.ds(16 * i, 16)] = jnp.zeros((16,), jnp.int32)
            ones = jnp.full((16,), 1, jnp.int32)
            for i in range(8):
                idv = ids_all_v[pl.ds(16 * i, 16)]
                plsc.store_scatter(act_v, [idv], ones)
            for i in range(5):
                perm_v[pl.ds(16 * i, 16)] = jnp.zeros((16,), jnp.int32)
            base = jnp.int32(0)
            for i in range(4):
                a = act_v[pl.ds(16 * i, 16)]
                incl = plsc.cumsum(a)
                pos = incl - a + base
                plsc.store_scatter(perm_v, [pos], lane + 16 * i, mask=a > 0)
                base = base + jnp.max(incl)
            perm_v[pl.ds(64, 16)] = jnp.full((16,), 1, jnp.int32) * base
            pltpu.sync_copy(perm_v, permcnt_hbm)


def _expert_ffn(x_ref, w13_ref, w2_ref, d_ff):
    h_ = jax.lax.dot_general(x_ref[:], w13_ref[0], (((1,), (1,)), ((), ())),
                             preferred_element_type=jnp.float32)
    gate = h_[:, :d_ff]
    up = h_[:, d_ff:]
    act = gate * jax.lax.logistic(gate) * up
    return jax.lax.dot_general(act, w2_ref[0], (((1,), (1,)), ((), ())),
                               preferred_element_type=jnp.float32)


def _ffn_kernel(pc_ref, ids_ref, ws_ref, x_ref, w13_ref, w2_ref,
                out_ref, *, d_ff, n_e):
    i = pl.program_id(0)
    cnt = pc_ref[n_e]

    @pl.when(i == 0)
    def _init():
        out_ref[:] = jnp.zeros_like(out_ref)

    @pl.when(i < cnt)
    def _compute():
        e = pc_ref[jnp.minimum(i, jnp.maximum(cnt - 1, 0))]
        o = _expert_ffn(x_ref, w13_ref, w2_ref, d_ff)
        c = (jnp.where(ids_ref[:, 0:1] == e, ws_ref[:, 0:1], 0.0)
             + jnp.where(ids_ref[:, 1:2] == e, ws_ref[:, 1:2], 0.0))
        out_ref[:] += c * o


def kernel(x, router_logits, w13_weight, w2_weight, top_k, renormalize):
    t, h = x.shape
    n_e = w13_weight.shape[0]
    d_ff = w13_weight.shape[1] // 2
    lane16 = jnp.arange(16, dtype=jnp.int32)
    params16 = (jnp.where(lane16 == 0, jnp.asarray(top_k, jnp.int32), 0)
                + jnp.where(lane16 == 1, jnp.asarray(renormalize, jnp.int32),
                            0))

    mesh = plsc.VectorSubcoreMesh(core_axis_name="c", subcore_axis_name="s",
                                  num_cores=1)
    routing = functools.partial(
        pl.kernel,
        mesh=mesh,
        compiler_params=pltpu.CompilerParams(needs_layout_passes=False),
        out_type=[
            jax.ShapeDtypeStruct((2 * t,), jnp.int32),
            jax.ShapeDtypeStruct((2 * t,), jnp.float32),
            jax.ShapeDtypeStruct((n_e + 16,), jnp.int32),
        ],
        scratch_types=[
            pltpu.VMEM((4, n_e), jnp.float32),
            pltpu.VMEM((16,), jnp.int32),
            pltpu.VMEM((16,), jnp.float32),
            pltpu.VMEM((16,), jnp.int32),
            pltpu.VMEM((2 * t,), jnp.int32),
            pltpu.VMEM((n_e,), jnp.int32),
            pltpu.VMEM((n_e + 16,), jnp.int32),
            pltpu.SemaphoreType.DMA,
        ],
    )(_sc_routing)
    ids_flat, ws_flat, permcnt = routing(router_logits, params16)
    ids = ids_flat.reshape(t, 2)
    ws = ws_flat.reshape(t, 2)

    def _w_map(i, pc_ref):
        return (pc_ref[jnp.minimum(i, jnp.maximum(pc_ref[n_e] - 1, 0))], 0, 0)

    body = functools.partial(_ffn_kernel, d_ff=d_ff, n_e=n_e)
    grid_spec = pltpu.PrefetchScalarGridSpec(
        num_scalar_prefetch=1,
        grid=(n_e,),
        in_specs=[
            pl.BlockSpec((t, 2), lambda i, p: (0, 0)),
            pl.BlockSpec((t, 2), lambda i, p: (0, 0)),
            pl.BlockSpec((t, h), lambda i, p: (0, 0)),
            pl.BlockSpec((1, 2 * d_ff, h), _w_map),
            pl.BlockSpec((1, h, d_ff), _w_map),
        ],
        out_specs=pl.BlockSpec((t, h), lambda i, p: (0, 0)),
    )
    out = pl.pallas_call(
        body,
        grid_spec=grid_spec,
        out_shape=jax.ShapeDtypeStruct((t, h), jnp.float32),
        compiler_params=pltpu.CompilerParams(
            dimension_semantics=("arbitrary",),
        ),
    )(permcnt, ids, ws, x, w13_weight, w2_weight)
    return out.astype(x.dtype)

# --- scband reference (transcript-rebuilt; emitter-appended) ---
"""Pipeline reference for scband-fused-mo-emethod-5437428596961 (READ-ONLY COPY).

The authoritative reference and input builder live on the scoring server;
editing this copy changes nothing except your own understanding.
"""

import jax, jax.numpy as jnp
import numpy as np

NUM_EXPERTS = 64
HIDDEN = 1024
INTER = 1024
TOKENS = 64


def setup_inputs(seed: int = 0) -> dict:
    key = jax.random.key(seed)
    k1, k2, k3, k4 = jax.random.split(key, 4)
    x = jax.random.normal(k1, (TOKENS, HIDDEN), dtype=jnp.float32)
    router_logits = jax.random.normal(k2, (TOKENS, NUM_EXPERTS), dtype=jnp.float32)
    # layer parameters per create_weights: w13 = [E, 2*inter, hidden], w2 = [E, hidden, inter]
    w13_weight = jax.random.normal(k3, (NUM_EXPERTS, 2 * INTER, HIDDEN), dtype=jnp.float32) * 0.02
    w2_weight = jax.random.normal(k4, (NUM_EXPERTS, HIDDEN, INTER), dtype=jnp.float32) * 0.02
    return {
        "x": x,
        "router_logits": router_logits,
        "w13_weight": w13_weight,
        "w2_weight": w2_weight,
        "top_k": 2,
        "renormalize": True,
    }


def reference(x, router_logits, w13_weight, w2_weight, top_k, renormalize):
    # select_experts: softmax over router logits, top-k, optional renormalize
    probs = jax.nn.softmax(router_logits.astype(jnp.float32), axis=-1)
    TOP_K_STATIC = 2
    topk_weights, topk_ids = jax.lax.top_k(probs, TOP_K_STATIC)
    valid = (jnp.arange(TOP_K_STATIC) < top_k)[None, :]
    topk_weights = jnp.where(valid, topk_weights, jnp.zeros_like(topk_weights))
    topk_weights = jnp.where(
        renormalize,
        topk_weights / jnp.sum(topk_weights, axis=-1, keepdims=True),
        topk_weights,
    )
    topk_weights = topk_weights.astype(x.dtype)

    T = x.shape[0]
    E = w13_weight.shape[0]
    d_ff = w13_weight.shape[1] // 2

    # combine matrix [T, E]: scatter-add topk weights into per-expert slots
    combine = jnp.zeros((T, E), dtype=x.dtype)
    combine = combine.at[jnp.arange(T)[:, None], topk_ids].add(topk_weights)

    # fused_experts (exact dense-equivalent, no capacity drop):
    # w13 projection for every expert, then silu-gated, then w2, then weighted combine.
    h = jnp.einsum('td,efd->tef', x, w13_weight)  # [T, E, 2*d_ff]
    gate = h[..., :d_ff]
    up = h[..., d_ff:]
    act = jax.nn.silu(gate) * up  # [T, E, d_ff]
    out_per_expert = jnp.einsum('tef,edf->ted', act, w2_weight)  # [T, E, d]
    out = jnp.einsum('ted,te->td', out_per_expert, combine)  # [T, d]
    return out

if __name__ == "__main__":
    import jax
    _d = setup_inputs()
    print(jax.jit(kernel)(*tuple(_d.values())))

</pallas_src>

<mosaic_0001>
#map = affine_map<(d0, d1) -> (0, 0)>
#map1 = affine_map<(d0, d1) -> (0)>
module attributes {stable_mosaic.version = 14 : i64} {
  func.func @_sc_routing(%arg0: i32, %arg1: i32, %arg2: memref<64x64xf32, #tpu.memory_space<hbm>>, %arg3: memref<16xi32, #tpu.memory_space<hbm>>, %arg4: memref<128xi32, #tpu.memory_space<hbm>>, %arg5: memref<128xf32, #tpu.memory_space<hbm>>, %arg6: memref<80xi32, #tpu.memory_space<hbm>>, %arg7: memref<4x64xf32, #tpu.memory_space<vmem>>, %arg8: memref<16xi32, #tpu.memory_space<vmem>>, %arg9: memref<16xf32, #tpu.memory_space<vmem>>, %arg10: memref<16xi32, #tpu.memory_space<vmem>>, %arg11: memref<128xi32, #tpu.memory_space<vmem>>, %arg12: memref<64xi32, #tpu.memory_space<vmem>>, %arg13: memref<80xi32, #tpu.memory_space<vmem>>, %arg14: memref<!tpu.dma_semaphore, #tpu.memory_space<semaphore_mem>>) attributes {dimension_semantics = [#tpu.dimension_semantics<core_parallel>, #tpu.dimension_semantics<subcore_parallel>], iteration_bounds = array<i64: 1, 16>, scalar_prefetch = 0 : i64, scratch_operands = 8 : i64, tpu.core_type = #tpu.core_type<sc_vector_subcore>, window_params = [{transform_indices = #map}, {transform_indices = #map1}, {transform_indices = #map1}, {transform_indices = #map1}, {transform_indices = #map1}]} {
    %eq3A = arith.constant 0 : i32
    %eq3A_0 = arith.cmpi eq, %arg0, %eq3A : i32
    %convert_element_type3A = arith.extui %eq3A_0 : i1 to i32
    %cond3A = arith.constant 0 : i32
    %cond3A_1 = arith.cmpi ne, %convert_element_type3A, %cond3A : i32
    scf.if %cond3A_1 {
      %iota3A = tpu.iota {dimensions = array<i32: 0>} : vector<16xi32>
      tpu.enqueue_dma source(%arg3 : memref<16xi32, #tpu.memory_space<hbm>>) target(%arg10 : memref<16xi32, #tpu.memory_space<vmem>>) target_semaphore(%arg14 : memref<!tpu.dma_semaphore, #tpu.memory_space<semaphore_mem>>)
      %mul3A = arith.constant 4 : i32
      %mul3A_2 = arith.muli %mul3A, %arg1 : i32
      %dma_start3A = arith.constant 0 : i32
      %dma_start3A_3 = tpu.memref_slice %arg2[%mul3A_2, %dma_start3A] : memref<64x64xf32, #tpu.memory_space<hbm>> -> memref<4x64xf32, #tpu.memory_space<hbm>>
      %dma_start3A_4 = arith.constant 0 : i32
      %dma_start3A_5 = tpu.memref_slice %arg2[%mul3A_2, %dma_start3A_4] : memref<64x64xf32, #tpu.memory_space<hbm>> -> memref<4x64xf32, #tpu.memory_space<hbm>>
      tpu.enqueue_dma source(%dma_start3A_5 : memref<4x64xf32, #tpu.memory_space<hbm>>) target(%arg7 : memref<4x64xf32, #tpu.memory_space<vmem>>) target_semaphore(%arg14 : memref<!tpu.dma_semaphore, #tpu.memory_space<semaphore_mem>>)
      tpu.wait_dma2 semaphore(%arg14 : memref<!tpu.dma_semaphore, #tpu.memory_space<semaphore_mem>>) src(%arg3 : memref<16xi32, #tpu.memory_space<hbm>>) dst(%arg10 : memref<16xi32, #tpu.memory_space<vmem>>)
      %dma_wait3A = arith.constant 0 : i32
      %dma_wait3A_6 = tpu.memref_slice %arg2[%mul3A_2, %dma_wait3A] : memref<64x64xf32, #tpu.memory_space<hbm>> -> memref<4x64xf32, #tpu.memory_space<hbm>>
      %dma_wait3A_7 = arith.constant 0 : i32
      %dma_wait3A_8 = tpu.memref_slice %arg2[%mul3A_2, %dma_wait3A_7] : memref<64x64xf32, #tpu.memory_space<hbm>> -> memref<4x64xf32, #tpu.memory_space<hbm>>
      tpu.wait_dma2 semaphore(%arg14 : memref<!tpu.dma_semaphore, #tpu.memory_space<semaphore_mem>>) src(%dma_wait3A_8 : memref<4x64xf32, #tpu.memory_space<hbm>>) dst(%arg7 : memref<4x64xf32, #tpu.memory_space<vmem>>)
      %get3A = arith.constant 0 : index
      %get3A_9 = tpu.vector_load %arg10[%get3A] {strides = array<i32>} : memref<16xi32, #tpu.memory_space<vmem>>, vector<16xi32>,
      %eq3A_10 = arith.constant 0 : i32
      %eq3A_11 = vector.broadcast %eq3A_10 : i32 to vector<16xi32>
      %eq3A_12 = arith.cmpi eq, %iota3A, %eq3A_11 : vector<16xi32>
      %jit3A = arith.constant 0 : i32
      %broadcast_in_dim3A = vector.broadcast %jit3A : i32 to vector<16xi32>
      %select_n3A = arith.select %eq3A_12, %get3A_9, %broadcast_in_dim3A : vector<16xi1>, vector<16xi32>
      %reduce_max3A = arith.constant true
      %reduce_max3A_13 = vector.broadcast %reduce_max3A : i1 to vector<16xi1>
      %reduce_max3A_14 = arith.constant -2147483648 : i32
      %reduce_max3A_15 = vector.broadcast %reduce_max3A_14 : i32 to vector<16xi32>
      %reduce_max3A_16 = arith.xori %select_n3A, %reduce_max3A_15 : vector<16xi32>
      %reduce_max3A_17 = tpu.scan <max>, %reduce_max3A_16 masked %reduce_max3A_13 : vector<16xi32>, vector<16xi1> -> vector<16xi32>
      %reduce_max3A_18 = arith.xori %reduce_max3A_17, %reduce_max3A_15 : vector<16xi32>
      %reduce_max3A_19 = vector.extract %reduce_max3A_18[15] : i32 from vector<16xi32>
      %eq3A_20 = arith.constant 1 : i32
      %eq3A_21 = vector.broadcast %eq3A_20 : i32 to vector<16xi32>
      %eq3A_22 = arith.cmpi eq, %iota3A, %eq3A_21 : vector<16xi32>
      %jit3A_23 = arith.constant 0 : i32
      %broadcast_in_dim3A_24 = vector.broadcast %jit3A_23 : i32 to vector<16xi32>
      %select_n3A_25 = arith.select %eq3A_22, %get3A_9, %broadcast_in_dim3A_24 : vector<16xi1>, vector<16xi32>
      %reduce_max3A_26 = arith.constant true
      %reduce_max3A_27 = vector.broadcast %reduce_max3A_26 : i1 to vector<16xi1>
      %reduce_max3A_28 = arith.constant -2147483648 : i32
      %reduce_max3A_29 = vector.broadcast %reduce_max3A_28 : i32 to vector<16xi32>
      %reduce_max3A_30 = arith.xori %select_n3A_25, %reduce_max3A_29 : vector<16xi32>
      %reduce_max3A_31 = tpu.scan <max>, %reduce_max3A_30 masked %reduce_max3A_27 : vector<16xi32>, vector<16xi1> -> vector<16xi32>
      %reduce_max3A_32 = arith.xori %reduce_max3A_31, %reduce_max3A_29 : vector<16xi32>
      %reduce_max3A_33 = vector.extract %reduce_max3A_32[15] : i32 from vector<16xi32>
      %add3A = arith.constant 64 : i32
      %add3A_34 = vector.broadcast %add3A : i32 to vector<16xi32>
      %add3A_35 = arith.addi %iota3A, %add3A_34 : vector<16xi32>
      %broadcast_in_dim3A_36 = arith.constant 0.000000e+00 : f32
      %broadcast_in_dim3A_37 = vector.broadcast %broadcast_in_dim3A_36 : f32 to vector<16xf32>
      %broadcast_in_dim3A_38 = arith.constant 1.000000e+00 : f32
      %broadcast_in_dim3A_39 = vector.broadcast %broadcast_in_dim3A_38 : f32 to vector<16xf32>
      %get3A_40 = arith.constant 0 : i32
      %get3A_41 = arith.index_cast %get3A_40 : i32 to index
      %get3A_42 = arith.constant 0 : index
      %get3A_43 = tpu.vector_load %arg7[%get3A_41, %get3A_42] {strides = array<i32>} : memref<4x64xf32, #tpu.memory_space<vmem>>, vector<16xf32>,
      %get3A_44 = arith.constant 0 : i32
      %get3A_45 = arith.index_cast %get3A_44 : i32 to index
      %get3A_46 = arith.constant 16 : index
      %get3A_47 = tpu.vector_load %arg7[%get3A_45, %get3A_46] {strides = array<i32>} : memref<4x64xf32, #tpu.memory_space<vmem>>, vector<16xf32>,
      %get3A_48 = arith.constant 0 : i32
      %get3A_49 = arith.index_cast %get3A_48 : i32 to index
      %get3A_50 = arith.constant 32 : index
      %get3A_51 = tpu.vector_load %arg7[%get3A_49, %get3A_50] {strides = array<i32>} : memref<4x64xf32, #tpu.memory_space<vmem>>, vector<16xf32>,
      %get3A_52 = arith.constant 0 : i32
      %get3A_53 = arith.index_cast %get3A_52 : i32 to index
      %get3A_54 = arith.constant 48 : index
      %get3A_55 = tpu.vector_load %arg7[%get3A_53, %get3A_54] {strides = array<i32>} : memref<4x64xf32, #tpu.memory_space<vmem>>, vector<16xf32>,
      %add3A_56 = arith.constant 0 : i32
      %add3A_57 = vector.broadcast %add3A_56 : i32 to vector<16xi32>
      %add3A_58 = arith.addi %iota3A, %add3A_57 : vector<16xi32>
      %add3A_59 = arith.constant 16 : i32
      %add3A_60 = vector.broadcast %add3A_59 : i32 to vector<16xi32>
      %add3A_61 = arith.addi %iota3A, %add3A_60 : vector<16xi32>
      %add3A_62 = arith.constant 32 : i32
      %add3A_63 = vector.broadcast %add3A_62 : i32 to vector<16xi32>
      %add3A_64 = arith.addi %iota3A, %add3A_63 : vector<16xi32>
      %add3A_65 = arith.constant 48 : i32
      %add3A_66 = vector.broadcast %add3A_65 : i32 to vector<16xi32>
      %add3A_67 = arith.addi %iota3A, %add3A_66 : vector<16xi32>
      %reduce_max3A_68 = arith.constant true
      %reduce_max3A_69 = vector.broadcast %reduce_max3A_68 : i1 to vector<16xi1>
      %reduce_max3A_70 = tpu.scan <max>, %get3A_43 masked %reduce_max3A_69 : vector<16xf32>, vector<16xi1> -> vector<16xf32>
      %reduce_max3A_71 = vector.extract %reduce_max3A_70[15] : f32 from vector<16xf32>
      %max3A = arith.constant -3.000000e+38 : f32
      %max3A_72 = arith.maximumf %max3A, %reduce_max3A_71 : f32
      %reduce_max3A_73 = arith.constant true
      %reduce_max3A_74 = vector.broadcast %reduce_max3A_73 : i1 to vector<16xi1>
      %reduce_max3A_75 = tpu.scan <max>, %get3A_47 masked %reduce_max3A_74 : vector<16xf32>, vector<16xi1> -> vector<16xf32>
      %reduce_max3A_76 = vector.extract %reduce_max3A_75[15] : f32 from vector<16xf32>
      %max3A_77 = arith.maximumf %max3A_72, %reduce_max3A_76 : f32
      %reduce_max3A_78 = arith.constant true
      %reduce_max3A_79 = vector.broadcast %reduce_max3A_78 : i1 to vector<16xi1>
      %reduce_max3A_80 = tpu.scan <max>, %get3A_51 masked %reduce_max3A_79 : vector<16xf32>, vector<16xi1> -> vector<16xf32>
      %reduce_max3A_81 = vector.extract %reduce_max3A_80[15] : f32 from vector<16xf32>
      %max3A_82 = arith.maximumf %max3A_77, %reduce_max3A_81 : f32
      %reduce_max3A_83 = arith.constant true
      %reduce_max3A_84 = vector.broadcast %reduce_max3A_83 : i1 to vector<16xi1>
      %reduce_max3A_85 = tpu.scan <max>, %get3A_55 masked %reduce_max3A_84 : vector<16xf32>, vector<16xi1> -> vector<16xf32>
      %reduce_max3A_86 = vector.extract %reduce_max3A_85[15] : f32 from vector<16xf32>
      %max3A_87 = arith.maximumf %max3A_82, %reduce_max3A_86 : f32
      %sub3A = vector.broadcast %max3A_87 : f32 to vector<16xf32>
      %sub3A_88 = arith.subf %get3A_43, %sub3A : vector<16xf32>
      %exp3A = math.exp %sub3A_88 : vector<16xf32>
      %sub3A_89 = vector.broadcast %max3A_87 : f32 to vector<16xf32>
      %sub3A_90 = arith.subf %get3A_47, %sub3A_89 : vector<16xf32>
      %exp3A_91 = math.exp %sub3A_90 : vector<16xf32>
      %sub3A_92 = vector.broadcast %max3A_87 : f32 to vector<16xf32>
      %sub3A_93 = arith.subf %get3A_51, %sub3A_92 : vector<16xf32>
      %exp3A_94 = math.exp %sub3A_93 : vector<16xf32>
      %sub3A_95 = vector.broadcast %max3A_87 : f32 to vector<16xf32>
      %sub3A_96 = arith.subf %get3A_55, %sub3A_95 : vector<16xf32>
      %exp3A_97 = math.exp %sub3A_96 : vector<16xf32>
      %reduce_sum3A = arith.constant true
      %reduce_sum3A_98 = vector.broadcast %reduce_sum3A : i1 to vector<16xi1>
      %reduce_sum3A_99 = tpu.scan <sum>, %exp3A masked %reduce_sum3A_98 : vector<16xf32>, vector<16xi1> -> vector<16xf32>
      %reduce_sum3A_100 = vector.extract %reduce_sum3A_99[15] : f32 from vector<16xf32>
      %add3A_101 = arith.constant 0.000000e+00 : f32
      %add3A_102 = arith.addf %add3A_101, %reduce_sum3A_100 : f32
      %reduce_sum3A_103 = arith.constant true
      %reduce_sum3A_104 = vector.broadcast %reduce_sum3A_103 : i1 to vector<16xi1>
      %reduce_sum3A_105 = tpu.scan <sum>, %exp3A_91 masked %reduce_sum3A_104 : vector<16xf32>, vector<16xi1> -> vector<16xf32>
      %reduce_sum3A_106 = vector.extract %reduce_sum3A_105[15] : f32 from vector<16xf32>
      %add3A_107 = arith.addf %add3A_102, %reduce_sum3A_106 : f32
      %reduce_sum3A_108 = arith.constant true
      %reduce_sum3A_109 = vector.broadcast %reduce_sum3A_108 : i1 to vector<16xi1>
      %reduce_sum3A_110 = tpu.scan <sum>, %exp3A_94 masked %reduce_sum3A_109 : vector<16xf32>, vector<16xi1> -> vector<16xf32>
      %reduce_sum3A_111 = vector.extract %reduce_sum3A_110[15] : f32 from vector<16xf32>
      %add3A_112 = arith.addf %add3A_107, %reduce_sum3A_111 : f32
      %reduce_sum3A_113 = arith.constant true
      %reduce_sum3A_114 = vector.broadcast %reduce_sum3A_113 : i1 to vector<16xi1>
      %reduce_sum3A_115 = tpu.scan <sum>, %exp3A_97 masked %reduce_sum3A_114 : vector<16xf32>, vector<16xi1> -> vector<16xf32>
      %reduce_sum3A_116 = vector.extract %reduce_sum3A_115[15] : f32 from vector<16xf32>
      %add3A_117 = arith.addf %add3A_112, %reduce_sum3A_116 : f32
      %eq3A_118 = vector.broadcast %max3A_87 : f32 to vector<16xf32>
      %eq3A_119 = arith.cmpf oeq, %get3A_43, %eq3A_118 : vector<16xf32>
      %jit3A_120 = arith.constant 1048576 : i32
      %broadcast_in_dim3A_121 = vector.broadcast %jit3A_120 : i32 to vector<16xi32>
      %select_n3A_122 = arith.select %eq3A_119, %add3A_58, %broadcast_in_dim3A_121 : vector<16xi1>, vector<16xi32>
      %reduce_min3A = arith.constant true
      %reduce_min3A_123 = vector.broadcast %reduce_min3A : i1 to vector<16xi1>
      %reduce_min3A_124 = arith.constant -2147483648 : i32
      %reduce_min3A_125 = vector.broadcast %reduce_min3A_124 : i32 to vector<16xi32>
      %reduce_min3A_126 = arith.xori %select_n3A_122, %reduce_min3A_125 : vector<16xi32>
      %reduce_min3A_127 = tpu.scan <min>, %reduce_min3A_126 masked %reduce_min3A_123 : vector<16xi32>, vector<16xi1> -> vector<16xi32>
      %reduce_min3A_128 = arith.xori %reduce_min3A_127, %reduce_min3A_125 : vector<16xi32>
      %reduce_min3A_129 = vector.extract %reduce_min3A_128[15] : i32 from vector<16xi32>
      %min3A = arith.constant 1048576 : i32
      %min3A_130 = arith.minsi %min3A, %reduce_min3A_129 : i32
      %eq3A_131 = vector.broadcast %max3A_87 : f32 to vector<16xf32>
      %eq3A_132 = arith.cmpf oeq, %get3A_47, %eq3A_131 : vector<16xf32>
      %jit3A_133 = arith.constant 1048576 : i32
      %broadcast_in_dim3A_134 = vector.broadcast %jit3A_133 : i32 to vector<16xi32>
      %select_n3A_135 = arith.select %eq3A_132, %add3A_61, %broadcast_in_dim3A_134 : vector<16xi1>, vector<16xi32>
      %reduce_min3A_136 = arith.constant true
      %reduce_min3A_137 = vector.broadcast %reduce_min3A_136 : i1 to vector<16xi1>
      %reduce_min3A_138 = arith.constant -2147483648 : i32
      %reduce_min3A_139 = vector.broadcast %reduce_min3A_138 : i32 to vector<16xi32>
      %reduce_min3A_140 = arith.xori %select_n3A_135, %reduce_min3A_139 : vector<16xi32>
      %reduce_min3A_141 = tpu.scan <min>, %reduce_min3A_140 masked %reduce_min3A_137 : vector<16xi32>, vector<16xi1> -> vector<16xi32>
      %reduce_min3A_142 = arith.xori %reduce_min3A_141, %reduce_min3A_139 : vector<16xi32>
      %reduce_min3A_143 = vector.extract %reduce_min3A_142[15] : i32 from vector<16xi32>
      %min3A_144 = arith.minsi %min3A_130, %reduce_min3A_143 : i32
      %eq3A_145 = vector.broadcast %max3A_87 : f32 to vector<16xf32>
      %eq3A_146 = arith.cmpf oeq, %get3A_51, %eq3A_145 : vector<16xf32>
      %jit3A_147 = arith.constant 1048576 : i32
      %broadcast_in_dim3A_148 = vector.broadcast %jit3A_147 : i32 to vector<16xi32>
      %select_n3A_149 = arith.select %eq3A_146, %add3A_64, %broadcast_in_dim3A_148 : vector<16xi1>, vector<16xi32>
      %reduce_min3A_150 = arith.constant true
      %reduce_min3A_151 = vector.broadcast %reduce_min3A_150 : i1 to vector<16xi1>
      %reduce_min3A_152 = arith.constant -2147483648 : i32
      %reduce_min3A_153 = vector.broadcast %reduce_min3A_152 : i32 to vector<16xi32>
      %reduce_min3A_154 = arith.xori %select_n3A_149, %reduce_min3A_153 : vector<16xi32>
      %reduce_min3A_155 = tpu.scan <min>, %reduce_min3A_154 masked %reduce_min3A_151 : vector<16xi32>, vector<16xi1> -> vector<16xi32>
      %reduce_min3A_156 = arith.xori %reduce_min3A_155, %reduce_min3A_153 : vector<16xi32>
      %reduce_min3A_157 = vector.extract %reduce_min3A_156[15] : i32 from vector<16xi32>
      %min3A_158 = arith.minsi %min3A_144, %reduce_min3A_157 : i32
      %eq3A_159 = vector.broadcast %max3A_87 : f32 to vector<16xf32>
      %eq3A_160 = arith.cmpf oeq, %get3A_55, %eq3A_159 : vector<16xf32>
      %jit3A_161 = arith.constant 1048576 : i32
      %broadcast_in_dim3A_162 = vector.broadcast %jit3A_161 : i32 to vector<16xi32>
      %select_n3A_163 = arith.select %eq3A_160, %add3A_67, %broadcast_in_dim3A_162 : vector<16xi1>, vector<16xi32>
      %reduce_min3A_164 = arith.constant true
      %reduce_min3A_165 = vector.broadcast %reduce_min3A_164 : i1 to vector<16xi1>
      %reduce_min3A_166 = arith.constant -2147483648 : i32
      %reduce_min3A_167 = vector.broadcast %reduce_min3A_166 : i32 to vector<16xi32>
      %reduce_min3A_168 = arith.xori %select_n3A_163, %reduce_min3A_167 : vector<16xi32>
      %reduce_min3A_169 = tpu.scan <min>, %reduce_min3A_168 masked %reduce_min3A_165 : vector<16xi32>, vector<16xi1> -> vector<16xi32>
      %reduce_min3A_170 = arith.xori %reduce_min3A_169, %reduce_min3A_167 : vector<16xi32>
      %reduce_min3A_171 = vector.extract %reduce_min3A_170[15] : i32 from vector<16xi32>
      %min3A_172 = arith.minsi %min3A_158, %reduce_min3A_171 : i32
      %eq3A_173 = vector.broadcast %min3A_172 : i32 to vector<16xi32>
      %eq3A_174 = arith.cmpi eq, %add3A_58, %eq3A_173 : vector<16xi32>
      %jit3A_175 = arith.constant -3.000000e+38 : f32
      %broadcast_in_dim3A_176 = vector.broadcast %jit3A_175 : f32 to vector<16xf32>
      %select_n3A_177 = arith.select %eq3A_174, %broadcast_in_dim3A_176, %get3A_43 : vector<16xi1>, vector<16xf32>
      %eq3A_178 = vector.broadcast %min3A_172 : i32 to vector<16xi32>
      %eq3A_179 = arith.cmpi eq, %add3A_61, %eq3A_178 : vector<16xi32>
      %jit3A_180 = arith.constant -3.000000e+38 : f32
      %broadcast_in_dim3A_181 = vector.broadcast %jit3A_180 : f32 to vector<16xf32>
      %select_n3A_182 = arith.select %eq3A_179, %broadcast_in_dim3A_181, %get3A_47 : vector<16xi1>, vector<16xf32>
      %eq3A_183 = vector.broadcast %min3A_172 : i32 to vector<16xi32>
      %eq3A_184 = arith.cmpi eq, %add3A_64, %eq3A_183 : vector<16xi32>
      %jit3A_185 = arith.constant -3.000000e+38 : f32
      %broadcast_in_dim3A_186 = vector.broadcast %jit3A_185 : f32 to vector<16xf32>
      %select_n3A_187 = arith.select %eq3A_184, %broadcast_in_dim3A_186, %get3A_51 : vector<16xi1>, vector<16xf32>
      %eq3A_188 = vector.broadcast %min3A_172 : i32 to vector<16xi32>
      %eq3A_189 = arith.cmpi eq, %add3A_67, %eq3A_188 : vector<16xi32>
      %jit3A_190 = arith.constant -3.000000e+38 : f32
      %broadcast_in_dim3A_191 = vector.broadcast %jit3A_190 : f32 to vector<16xf32>
      %select_n3A_192 = arith.select %eq3A_189, %broadcast_in_dim3A_191, %get3A_55 : vector<16xi1>, vector<16xf32>
      %reduce_max3A_193 = arith.constant true
      %reduce_max3A_194 = vector.broadcast %reduce_max3A_193 : i1 to vector<16xi1>
      %reduce_max3A_195 = tpu.scan <max>, %select_n3A_177 masked %reduce_max3A_194 : vector<16xf32>, vector<16xi1> -> vector<16xf32>
      %reduce_max3A_196 = vector.extract %reduce_max3A_195[15] : f32 from vector<16xf32>
      %max3A_197 = arith.constant -3.000000e+38 : f32
      %max3A_198 = arith.maximumf %max3A_197, %reduce_max3A_196 : f32
      %reduce_max3A_199 = arith.constant true
      %reduce_max3A_200 = vector.broadcast %reduce_max3A_199 : i1 to vector<16xi1>
      %reduce_max3A_201 = tpu.scan <max>, %select_n3A_182 masked %reduce_max3A_200 : vector<16xf32>, vector<16xi1> -> vector<16xf32>
      %reduce_max3A_202 = vector.extract %reduce_max3A_201[15] : f32 from vector<16xf32>
      %max3A_203 = arith.maximumf %max3A_198, %reduce_max3A_202 : f32
      %reduce_max3A_204 = arith.constant true
      %reduce_max3A_205 = vector.broadcast %reduce_max3A_204 : i1 to vector<16xi1>
      %reduce_max3A_206 = tpu.scan <max>, %select_n3A_187 masked %reduce_max3A_205 : vector<16xf32>, vector<16xi1> -> vector<16xf32>
      %reduce_max3A_207 = vector.extract %reduce_max3A_206[15] : f32 from vector<16xf32>
      %max3A_208 = arith.maximumf %max3A_203, %reduce_max3A_207 : f32
      %reduce_max3A_209 = arith.constant true
      %reduce_max3A_210 = vector.broadcast %reduce_max3A_209 : i1 to vector<16xi1>
      %reduce_max3A_211 = tpu.scan <max>, %select_n3A_192 masked %reduce_max3A_210 : vector<16xf32>, vector<16xi1> -> vector<16xf32>
      %reduce_max3A_212 = vector.extract %reduce_max3A_211[15] : f32 from vector<16xf32>
      %max3A_213 = arith.maximumf %max3A_208, %reduce_max3A_212 : f32
      %eq3A_214 = vector.broadcast %max3A_213 : f32 to vector<16xf32>
      %eq3A_215 = arith.cmpf oeq, %select_n3A_177, %eq3A_214 : vector<16xf32>
      %jit3A_216 = arith.constant 1048576 : i32
      %broadcast_in_dim3A_217 = vector.broadcast %jit3A_216 : i32 to vector<16xi32>
      %select_n3A_218 = arith.select %eq3A_215, %add3A_58, %broadcast_in_dim3A_217 : vector<16xi1>, vector<16xi32>
      %reduce_min3A_219 = arith.constant true
      %reduce_min3A_220 = vector.broadcast %reduce_min3A_219 : i1 to vector<16xi1>
      %reduce_min3A_221 = arith.constant -2147483648 : i32
      %reduce_min3A_222 = vector.broadcast %reduce_min3A_221 : i32 to vector<16xi32>
      %reduce_min3A_223 = arith.xori %select_n3A_218, %reduce_min3A_222 : vector<16xi32>
      %reduce_min3A_224 = tpu.scan <min>, %reduce_min3A_223 masked %reduce_min3A_220 : vector<16xi32>, vector<16xi1> -> vector<16xi32>
      %reduce_min3A_225 = arith.xori %reduce_min3A_224, %reduce_min3A_222 : vector<16xi32>
      %reduce_min3A_226 = vector.extract %reduce_min3A_225[15] : i32 from vector<16xi32>
      %min3A_227 = arith.constant 1048576 : i32
      %min3A_228 = arith.minsi %min3A_227, %reduce_min3A_226 : i32
      %eq3A_229 = vector.broadcast %max3A_213 : f32 to vector<16xf32>
      %eq3A_230 = arith.cmpf oeq, %select_n3A_182, %eq3A_229 : vector<16xf32>
      %jit3A_231 = arith.constant 1048576 : i32
      %broadcast_in_dim3A_232 = vector.broadcast %jit3A_231 : i32 to vector<16xi32>
      %select_n3A_233 = arith.select %eq3A_230, %add3A_61, %broadcast_in_dim3A_232 : vector<16xi1>, vector<16xi32>
      %reduce_min3A_234 = arith.constant true
      %reduce_min3A_235 = vector.broadcast %reduce_min3A_234 : i1 to vector<16xi1>
      %reduce_min3A_236 = arith.constant -2147483648 : i32
      %reduce_min3A_237 = vector.broadcast %reduce_min3A_236 : i32 to vector<16xi32>
      %reduce_min3A_238 = arith.xori %select_n3A_233, %reduce_min3A_237 : vector<16xi32>
      %reduce_min3A_239 = tpu.scan <min>, %reduce_min3A_238 masked %reduce_min3A_235 : vector<16xi32>, vector<16xi1> -> vector<16xi32>
      %reduce_min3A_240 = arith.xori %reduce_min3A_239, %reduce_min3A_237 : vector<16xi32>
      %reduce_min3A_241 = vector.extract %reduce_min3A_240[15] : i32 from vector<16xi32>
      %min3A_242 = arith.minsi %min3A_228, %reduce_min3A_241 : i32
      %eq3A_243 = vector.broadcast %max3A_213 : f32 to vector<16xf32>
      %eq3A_244 = arith.cmpf oeq, %select_n3A_187, %eq3A_243 : vector<16xf32>
      %jit3A_245 = arith.constant 1048576 : i32
      %broadcast_in_dim3A_246 = vector.broadcast %jit3A_245 : i32 to vector<16xi32>
      %select_n3A_247 = arith.select %eq3A_244, %add3A_64, %broadcast_in_dim3A_246 : vector<16xi1>, vector<16xi32>
      %reduce_min3A_248 = arith.constant true
      %reduce_min3A_249 = vector.broadcast %reduce_min3A_248 : i1 to vector<16xi1>
      %reduce_min3A_250 = arith.constant -2147483648 : i32
      %reduce_min3A_251 = vector.broadcast %reduce_min3A_250 : i32 to vector<16xi32>
      %reduce_min3A_252 = arith.xori %select_n3A_247, %reduce_min3A_251 : vector<16xi32>
      %reduce_min3A_253 = tpu.scan <min>, %reduce_min3A_252 masked %reduce_min3A_249 : vector<16xi32>, vector<16xi1> -> vector<16xi32>
      %reduce_min3A_254 = arith.xori %reduce_min3A_253, %reduce_min3A_251 : vector<16xi32>
      %reduce_min3A_255 = vector.extract %reduce_min3A_254[15] : i32 from vector<16xi32>
      %min3A_256 = arith.minsi %min3A_242, %reduce_min3A_255 : i32
      %eq3A_257 = vector.broadcast %max3A_213 : f32 to vector<16xf32>
      %eq3A_258 = arith.cmpf oeq, %select_n3A_192, %eq3A_257 : vector<16xf32>
      %jit3A_259 = arith.constant 1048576 : i32
      %broadcast_in_dim3A_260 = vector.broadcast %jit3A_259 : i32 to vector<16xi32>
      %select_n3A_261 = arith.select %eq3A_258, %add3A_67, %broadcast_in_dim3A_260 : vector<16xi1>, vector<16xi32>
      %reduce_min3A_262 = arith.constant true
      %reduce_min3A_263 = vector.broadcast %reduce_min3A_262 : i1 to vector<16xi1>
      %reduce_min3A_264 = arith.constant -2147483648 : i32
      %reduce_min3A_265 = vector.broadcast %reduce_min3A_264 : i32 to vector<16xi32>
      %reduce_min3A_266 = arith.xori %select_n3A_261, %reduce_min3A_265 : vector<16xi32>
      %reduce_min3A_267 = tpu.scan <min>, %reduce_min3A_266 masked %reduce_min3A_263 : vector<16xi32>, vector<16xi1> -> vector<16xi32>
      %reduce_min3A_268 = arith.xori %reduce_min3A_267, %reduce_min3A_265 : vector<16xi32>
      %reduce_min3A_269 = vector.extract %reduce_min3A_268[15] : i32 from vector<16xi32>
      %min3A_270 = arith.minsi %min3A_256, %reduce_min3A_269 : i32
      %eq3A_271 = vector.broadcast %min3A_270 : i32 to vector<16xi32>
      %eq3A_272 = arith.cmpi eq, %add3A_58, %eq3A_271 : vector<16xi32>
      %jit3A_273 = arith.constant 0.000000e+00 : f32
      %broadcast_in_dim3A_274 = vector.broadcast %jit3A_273 : f32 to vector<16xf32>
      %select_n3A_275 = arith.select %eq3A_272, %exp3A, %broadcast_in_dim3A_274 : vector<16xi1>, vector<16xf32>
      %reduce_sum3A_276 = arith.constant true
      %reduce_sum3A_277 = vector.broadcast %reduce_sum3A_276 : i1 to vector<16xi1>
      %reduce_sum3A_278 = tpu.scan <sum>, %select_n3A_275 masked %reduce_sum3A_277 : vector<16xf32>, vector<16xi1> -> vector<16xf32>
      %reduce_sum3A_279 = vector.extract %reduce_sum3A_278[15] : f32 from vector<16xf32>
      %add3A_280 = arith.constant 0.000000e+00 : f32
      %add3A_281 = arith.addf %add3A_280, %reduce_sum3A_279 : f32
      %eq3A_282 = vector.broadcast %min3A_270 : i32 to vector<16xi32>
      %eq3A_283 = arith.cmpi eq, %add3A_61, %eq3A_282 : vector<16xi32>
      %jit3A_284 = arith.constant 0.000000e+00 : f32
      %broadcast_in_dim3A_285 = vector.broadcast %jit3A_284 : f32 to vector<16xf32>
      %select_n3A_286 = arith.select %eq3A_283, %exp3A_91, %broadcast_in_dim3A_285 : vector<16xi1>, vector<16xf32>
      %reduce_sum3A_287 = arith.constant true
      %reduce_sum3A_288 = vector.broadcast %reduce_sum3A_287 : i1 to vector<16xi1>
      %reduce_sum3A_289 = tpu.scan <sum>, %select_n3A_286 masked %reduce_sum3A_288 : vector<16xf32>, vector<16xi1> -> vector<16xf32>
      %reduce_sum3A_290 = vector.extract %reduce_sum3A_289[15] : f32 from vector<16xf32>
      %add3A_291 = arith.addf %add3A_281, %reduce_sum3A_290 : f32
      %eq3A_292 = vector.broadcast %min3A_270 : i32 to vector<16xi32>
      %eq3A_293 = arith.cmpi eq, %add3A_64, %eq3A_292 : vector<16xi32>
      %jit3A_294 = arith.constant 0.000000e+00 : f32
      %broadcast_in_dim3A_295 = vector.broadcast %jit3A_294 : f32 to vector<16xf32>
      %select_n3A_296 = arith.select %eq3A_293, %exp3A_94, %broadcast_in_dim3A_295 : vector<16xi1>, vector<16xf32>
      %reduce_sum3A_297 = arith.constant true
      %reduce_sum3A_298 = vector.broadcast %reduce_sum3A_297 : i1 to vector<16xi1>
      %reduce_sum3A_299 = tpu.scan <sum>, %select_n3A_296 masked %reduce_sum3A_298 : vector<16xf32>, vector<16xi1> -> vector<16xf32>
      %reduce_sum3A_300 = vector.extract %reduce_sum3A_299[15] : f32 from vector<16xf32>
      %add3A_301 = arith.addf %add3A_291, %reduce_sum3A_300 : f32
      %eq3A_302 = vector.broadcast %min3A_270 : i32 to vector<16xi32>
      %eq3A_303 = arith.cmpi eq, %add3A_67, %eq3A_302 : vector<16xi32>
      %jit3A_304 = arith.constant 0.000000e+00 : f32
      %broadcast_in_dim3A_305 = vector.broadcast %jit3A_304 : f32 to vector<16xf32>
      %select_n3A_306 = arith.select %eq3A_303, %exp3A_97, %broadcast_in_dim3A_305 : vector<16xi1>, vector<16xf32>
      %reduce_sum3A_307 = arith.constant true
      %reduce_sum3A_308 = vector.broadcast %reduce_sum3A_307 : i1 to vector<16xi1>
      %reduce_sum3A_309 = tpu.scan <sum>, %select_n3A_306 masked %reduce_sum3A_308 : vector<16xf32>, vector<16xi1> -> vector<16xf32>
      %reduce_sum3A_310 = vector.extract %reduce_sum3A_309[15] : f32 from vector<16xf32>
      %add3A_311 = arith.addf %add3A_301, %reduce_sum3A_310 : f32
      %ge3A = arith.constant 1 : i32
      %ge3A_312 = arith.cmpi sge, %reduce_max3A_19, %ge3A : i32
      %jit3A_313 = arith.constant 1.000000e+00 : f32
      %jit3A_314 = arith.constant 0.000000e+00 : f32
      %select_n3A_315 = arith.select %ge3A_312, %jit3A_313, %jit3A_314 : f32
      %ge3A_316 = arith.constant 2 : i32
      %ge3A_317 = arith.cmpi sge, %reduce_max3A_19, %ge3A_316 : i32
      %jit3A_318 = arith.constant 0.000000e+00 : f32
      %select_n3A_319 = arith.select %ge3A_317, %add3A_311, %jit3A_318 : f32
      %ne3A = arith.constant 0 : i32
      %ne3A_320 = arith.cmpi ne, %reduce_max3A_33, %ne3A : i32
      %add3A_321 = arith.addf %select_n3A_315, %select_n3A_319 : f32
      %select_n3A_322 = arith.select %ne3A_320, %add3A_321, %add3A_117 : f32
      %eq3A_323 = arith.constant 0 : i32
      %eq3A_324 = vector.broadcast %eq3A_323 : i32 to vector<16xi32>
      %eq3A_325 = arith.cmpi eq, %iota3A, %eq3A_324 : vector<16xi32>
      %broadcast_in_dim3A_326 = vector.broadcast %min3A_172 : i32 to vector<16xi32>
      %select_n3A_327 = arith.select %eq3A_325, %broadcast_in_dim3A_326, %add3A_35 : vector<16xi1>, vector<16xi32>
      %eq3A_328 = arith.constant 1 : i32
      %eq3A_329 = vector.broadcast %eq3A_328 : i32 to vector<16xi32>
      %eq3A_330 = arith.cmpi eq, %iota3A, %eq3A_329 : vector<16xi32>
      %broadcast_in_dim3A_331 = vector.broadcast %min3A_270 : i32 to vector<16xi32>
      %select_n3A_332 = arith.select %eq3A_330, %broadcast_in_dim3A_331, %select_n3A_327 : vector<16xi1>, vector<16xi32>
      %eq3A_333 = arith.constant 0 : i32
      %eq3A_334 = vector.broadcast %eq3A_333 : i32 to vector<16xi32>
      %eq3A_335 = arith.cmpi eq, %iota3A, %eq3A_334 : vector<16xi32>
      %broadcast_in_dim3A_336 = vector.broadcast %select_n3A_315 : f32 to vector<16xf32>
      %select_n3A_337 = arith.select %eq3A_335, %broadcast_in_dim3A_336, %broadcast_in_dim3A_37 : vector<16xi1>, vector<16xf32>
      %eq3A_338 = arith.constant 1 : i32
      %eq3A_339 = vector.broadcast %eq3A_338 : i32 to vector<16xi32>
      %eq3A_340 = arith.cmpi eq, %iota3A, %eq3A_339 : vector<16xi32>
      %broadcast_in_dim3A_341 = vector.broadcast %select_n3A_319 : f32 to vector<16xf32>
      %select_n3A_342 = arith.select %eq3A_340, %broadcast_in_dim3A_341, %select_n3A_337 : vector<16xi1>, vector<16xf32>
      %eq3A_343 = arith.constant 0 : i32
      %eq3A_344 = vector.broadcast %eq3A_343 : i32 to vector<16xi32>
      %eq3A_345 = arith.cmpi eq, %iota3A, %eq3A_344 : vector<16xi32>
      %broadcast_in_dim3A_346 = vector.broadcast %select_n3A_322 : f32 to vector<16xf32>
      %select_n3A_347 = arith.select %eq3A_345, %broadcast_in_dim3A_346, %broadcast_in_dim3A_39 : vector<16xi1>, vector<16xf32>
      %eq3A_348 = arith.constant 1 : i32
      %eq3A_349 = vector.broadcast %eq3A_348 : i32 to vector<16xi32>
      %eq3A_350 = arith.cmpi eq, %iota3A, %eq3A_349 : vector<16xi32>
      %broadcast_in_dim3A_351 = vector.broadcast %select_n3A_322 : f32 to vector<16xf32>
      %select_n3A_352 = arith.select %eq3A_350, %broadcast_in_dim3A_351, %select_n3A_347 : vector<16xi1>, vector<16xf32>
      %get3A_353 = arith.constant 1 : i32
      %get3A_354 = arith.index_cast %get3A_353 : i32 to index
      %get3A_355 = arith.constant 0 : index
      %get3A_356 = tpu.vector_load %arg7[%get3A_354, %get3A_355] {strides = array<i32>} : memref<4x64xf32, #tpu.memory_space<vmem>>, vector<16xf32>,
      %get3A_357 = arith.constant 1 : i32
      %get3A_358 = arith.index_cast %get3A_357 : i32 to index
      %get3A_359 = arith.constant 16 : index
      %get3A_360 = tpu.vector_load %arg7[%get3A_358, %get3A_359] {strides = array<i32>} : memref<4x64xf32, #tpu.memory_space<vmem>>, vector<16xf32>,
      %get3A_361 = arith.constant 1 : i32
      %get3A_362 = arith.index_cast %get3A_361 : i32 to index
      %get3A_363 = arith.constant 32 : index
      %get3A_364 = tpu.vector_load %arg7[%get3A_362, %get3A_363] {strides = array<i32>} : memref<4x64xf32, #tpu.memory_space<vmem>>, vector<16xf32>,
      %get3A_365 = arith.constant 1 : i32
      %get3A_366 = arith.index_cast %get3A_365 : i32 to index
      %get3A_367 = arith.constant 48 : index
      %get3A_368 = tpu.vector_load %arg7[%get3A_366, %get3A_367] {strides = array<i32>} : memref<4x64xf32, #tpu.memory_space<vmem>>, vector<16xf32>,
      %add3A_369 = arith.constant 0 : i32
      %add3A_370 = vector.broadcast %add3A_369 : i32 to vector<16xi32>
      %add3A_371 = arith.addi %iota3A, %add3A_370 : vector<16xi32>
      %add3A_372 = arith.constant 16 : i32
      %add3A_373 = vector.broadcast %add3A_372 : i32 to vector<16xi32>
      %add3A_374 = arith.addi %iota3A, %add3A_373 : vector<16xi32>
      %add3A_375 = arith.constant 32 : i32
      %add3A_376 = vector.broadcast %add3A_375 : i32 to vector<16xi32>
      %add3A_377 = arith.addi %iota3A, %add3A_376 : vector<16xi32>
      %add3A_378 = arith.constant 48 : i32
      %add3A_379 = vector.broadcast %add3A_378 : i32 to vector<16xi32>
      %add3A_380 = arith.addi %iota3A, %add3A_379 : vector<16xi32>
      %reduce_max3A_381 = arith.constant true
      %reduce_max3A_382 = vector.broadcast %reduce_max3A_381 : i1 to vector<16xi1>
      %reduce_max3A_383 = tpu.scan <max>, %get3A_356 masked %reduce_max3A_382 : vector<16xf32>, vector<16xi1> -> vector<16xf32>
      %reduce_max3A_384 = vector.extract %reduce_max3A_383[15] : f32 from vector<16xf32>
      %max3A_385 = arith.constant -3.000000e+38 : f32
      %max3A_386 = arith.maximumf %max3A_385, %reduce_max3A_384 : f32
      %reduce_max3A_387 = arith.constant true
      %reduce_max3A_388 = vector.broadcast %reduce_max3A_387 : i1 to vector<16xi1>
      %reduce_max3A_389 = tpu.scan <max>, %get3A_360 masked %reduce_max3A_388 : vector<16xf32>, vector<16xi1> -> vector<16xf32>
      %reduce_max3A_390 = vector.extract %reduce_max3A_389[15] : f32 from vector<16xf32>
      %max3A_391 = arith.maximumf %max3A_386, %reduce_max3A_390 : f32
      %reduce_max3A_392 = arith.constant true
      %reduce_max3A_393 = vector.broadcast %reduce_max3A_392 : i1 to vector<16xi1>
      %reduce_max3A_394 = tpu.scan <max>, %get3A_364 masked %reduce_max3A_393 : vector<16xf32>, vector<16xi1> -> vector<16xf32>
      %reduce_max3A_395 = vector.extract %reduce_max3A_394[15] : f32 from vector<16xf32>
      %max3A_396 = arith.maximumf %max3A_391, %reduce_max3A_395 : f32
      %reduce_max3A_397 = arith.constant true
      %reduce_max3A_398 = vector.broadcast %reduce_max3A_397 : i1 to vector<16xi1>
      %reduce_max3A_399 = tpu.scan <max>, %get3A_368 masked %reduce_max3A_398 : vector<16xf32>, vector<16xi1> -> vector<16xf32>
      %reduce_max3A_400 = vector.extract %reduce_max3A_399[15] : f32 from vector<16xf32>
      %max3A_401 = arith.maximumf %max3A_396, %reduce_max3A_400 : f32
      %sub3A_402 = vector.broadcast %max3A_401 : f32 to vector<16xf32>
      %sub3A_403 = arith.subf %get3A_356, %sub3A_402 : vector<16xf32>
      %exp3A_404 = math.exp %sub3A_403 : vector<16xf32>
      %sub3A_405 = vector.broadcast %max3A_401 : f32 to vector<16xf32>
      %sub3A_406 = arith.subf %get3A_360, %sub3A_405 : vector<16xf32>
      %exp3A_407 = math.exp %sub3A_406 : vector<16xf32>
      %sub3A_408 = vector.broadcast %max3A_401 : f32 to vector<16xf32>
      %sub3A_409 = arith.subf %get3A_364, %sub3A_408 : vector<16xf32>
      %exp3A_410 = math.exp %sub3A_409 : vector<16xf32>
      %sub3A_411 = vector.broadcast %max3A_401 : f32 to vector<16xf32>
      %sub3A_412 = arith.subf %get3A_368, %sub3A_411 : vector<16xf32>
      %exp3A_413 = math.exp %sub3A_412 : vector<16xf32>
      %reduce_sum3A_414 = arith.constant true
      %reduce_sum3A_415 = vector.broadcast %reduce_sum3A_414 : i1 to vector<16xi1>
      %reduce_sum3A_416 = tpu.scan <sum>, %exp3A_404 masked %reduce_sum3A_415 : vector<16xf32>, vector<16xi1> -> vector<16xf32>
      %reduce_sum3A_417 = vector.extract %reduce_sum3A_416[15] : f32 from vector<16xf32>
      %add3A_418 = arith.constant 0.000000e+00 : f32
      %add3A_419 = arith.addf %add3A_418, %reduce_sum3A_417 : f32
      %reduce_sum3A_420 = arith.constant true
      %reduce_sum3A_421 = vector.broadcast %reduce_sum3A_420 : i1 to vector<16xi1>
      %reduce_sum3A_422 = tpu.scan <sum>, %exp3A_407 masked %reduce_sum3A_421 : vector<16xf32>, vector<16xi1> -> vector<16xf32>
      %reduce_sum3A_423 = vector.extract %reduce_sum3A_422[15] : f32 from vector<16xf32>
      %add3A_424 = arith.addf %add3A_419, %reduce_sum3A_423 : f32
      %reduce_sum3A_425 = arith.constant true
      %reduce_sum3A_426 = vector.broadcast %reduce_sum3A_425 : i1 to vector<16xi1>
      %reduce_sum3A_427 = tpu.scan <sum>, %exp3A_410 masked %reduce_sum3A_426 : vector<16xf32>, vector<16xi1> -> vector<16xf32>
      %reduce_sum3A_428 = vector.extract %reduce_sum3A_427[15] : f32 from vector<16xf32>
      %add3A_429 = arith.addf %add3A_424, %reduce_sum3A_428 : f32
      %reduce_sum3A_430 = arith.constant true
      %reduce_sum3A_431 = vector.broadcast %reduce_sum3A_430 : i1 to vector<16xi1>
      %reduce_sum3A_432 = tpu.scan <sum>, %exp3A_413 masked %reduce_sum3A_431 : vector<16xf32>, vector<16xi1> -> vector<16xf32>
      %reduce_sum3A_433 = vector.extract %reduce_sum3A_432[15] : f32 from vector<16xf32>
      %add3A_434 = arith.addf %add3A_429, %reduce_sum3A_433 : f32
      %eq3A_435 = vector.broadcast %max3A_401 : f32 to vector<16xf32>
      %eq3A_436 = arith.cmpf oeq, %get3A_356, %eq3A_435 : vector<16xf32>
      %jit3A_437 = arith.constant 1048576 : i32
      %broadcast_in_dim3A_438 = vector.broadcast %jit3A_437 : i32 to vector<16xi32>
      %select_n3A_439 = arith.select %eq3A_436, %add3A_371, %broadcast_in_dim3A_438 : vector<16xi1>, vector<16xi32>
      %reduce_min3A_440 = arith.constant true
      %reduce_min3A_441 = vector.broadcast %reduce_min3A_440 : i1 to vector<16xi1>
      %reduce_min3A_442 = arith.constant -2147483648 : i32
      %reduce_min3A_443 = vector.broadcast %reduce_min3A_442 : i32 to vector<16xi32>
      %reduce_min3A_444 = arith.xori %select_n3A_439, %reduce_min3A_443 : vector<16xi32>
      %reduce_min3A_445 = tpu.scan <min>, %reduce_min3A_444 masked %reduce_min3A_441 : vector<16xi32>, vector<16xi1> -> vector<16xi32>
      %reduce_min3A_446 = arith.xori %reduce_min3A_445, %reduce_min3A_443 : vector<16xi32>
      %reduce_min3A_447 = vector.extract %reduce_min3A_446[15] : i32 from vector<16xi32>
      %min3A_448 = arith.constant 1048576 : i32
      %min3A_449 = arith.minsi %min3A_448, %reduce_min3A_447 : i32
      %eq3A_450 = vector.broadcast %max3A_401 : f32 to vector<16xf32>
      %eq3A_451 = arith.cmpf oeq, %get3A_360, %eq3A_450 : vector<16xf32>
      %jit3A_452 = arith.constant 1048576 : i32
      %broadcast_in_dim3A_453 = vector.broadcast %jit3A_452 : i32 to vector<16xi32>
      %select_n3A_454 = arith.select %eq3A_451, %add3A_374, %broadcast_in_dim3A_453 : vector<16xi1>, vector<16xi32>
      %reduce_min3A_455 = arith.constant true
      %reduce_min3A_456 = vector.broadcast %reduce_min3A_455 : i1 to vector<16xi1>
      %reduce_min3A_457 = arith.constant -2147483648 : i32
      %reduce_min3A_458 = vector.broadcast %reduce_min3A_457 : i32 to vector<16xi32>
      %reduce_min3A_459 = arith.xori %select_n3A_454, %reduce_min3A_458 : vector<16xi32>
      %reduce_min3A_460 = tpu.scan <min>, %reduce_min3A_459 masked %reduce_min3A_456 : vector<16xi32>, vector<16xi1> -> vector<16xi32>
      %reduce_min3A_461 = arith.xori %reduce_min3A_460, %reduce_min3A_458 : vector<16xi32>
      %reduce_min3A_462 = vector.extract %reduce_min3A_461[15] : i32 from vector<16xi32>
      %min3A_463 = arith.minsi %min3A_449, %reduce_min3A_462 : i32
      %eq3A_464 = vector.broadcast %max3A_401 : f32 to vector<16xf32>
      %eq3A_465 = arith.cmpf oeq, %get3A_364, %eq3A_464 : vector<16xf32>
      %jit3A_466 = arith.constant 1048576 : i32
      %broadcast_in_dim3A_467 = vector.broadcast %jit3A_466 : i32 to vector<16xi32>
      %select_n3A_468 = arith.select %eq3A_465, %add3A_377, %broadcast_in_dim3A_467 : vector<16xi1>, vector<16xi32>
      %reduce_min3A_469 = arith.constant true
      %reduce_min3A_470 = vector.broadcast %reduce_min3A_469 : i1 to vector<16xi1>
      %reduce_min3A_471 = arith.constant -2147483648 : i32
      %reduce_min3A_472 = vector.broadcast %reduce_min3A_471 : i32 to vector<16xi32>
      %reduce_min3A_473 = arith.xori %select_n3A_468, %reduce_min3A_472 : vector<16xi32>
      %reduce_min3A_474 = tpu.scan <min>, %reduce_min3A_473 masked %reduce_min3A_470 : vector<16xi32>, vector<16xi1> -> vector<16xi32>
      %reduce_min3A_475 = arith.xori %reduce_min3A_474, %reduce_min3A_472 : vector<16xi32>
      %reduce_min3A_476 = vector.extract %reduce_min3A_475[15] : i32 from vector<16xi32>
      %min3A_477 = arith.minsi %min3A_463, %reduce_min3A_476 : i32
      %eq3A_478 = vector.broadcast %max3A_401 : f32 to vector<16xf32>
      %eq3A_479 = arith.cmpf oeq, %get3A_368, %eq3A_478 : vector<16xf32>
      %jit3A_480 = arith.constant 1048576 : i32
      %broadcast_in_dim3A_481 = vector.broadcast %jit3A_480 : i32 to vector<16xi32>
      %select_n3A_482 = arith.select %eq3A_479, %add3A_380, %broadcast_in_dim3A_481 : vector<16xi1>, vector<16xi32>
      %reduce_min3A_483 = arith.constant true
      %reduce_min3A_484 = vector.broadcast %reduce_min3A_483 : i1 to vector<16xi1>
      %reduce_min3A_485 = arith.constant -2147483648 : i32
      %reduce_min3A_486 = vector.broadcast %reduce_min3A_485 : i32 to vector<16xi32>
      %reduce_min3A_487 = arith.xori %select_n3A_482, %reduce_min3A_486 : vector<16xi32>
      %reduce_min3A_488 = tpu.scan <min>, %reduce_min3A_487 masked %reduce_min3A_484 : vector<16xi32>, vector<16xi1> -> vector<16xi32>
      %reduce_min3A_489 = arith.xori %reduce_min3A_488, %reduce_min3A_486 : vector<16xi32>
      %reduce_min3A_490 = vector.extract %reduce_min3A_489[15] : i32 from vector<16xi32>
      %min3A_491 = arith.minsi %min3A_477, %reduce_min3A_490 : i32
      %eq3A_492 = vector.broadcast %min3A_491 : i32 to vector<16xi32>
      %eq3A_493 = arith.cmpi eq, %add3A_371, %eq3A_492 : vector<16xi32>
      %jit3A_494 = arith.constant -3.000000e+38 : f32
      %broadcast_in_dim3A_495 = vector.broadcast %jit3A_494 : f32 to vector<16xf32>
      %select_n3A_496 = arith.select %eq3A_493, %broadcast_in_dim3A_495, %get3A_356 : vector<16xi1>, vector<16xf32>
      %eq3A_497 = vector.broadcast %min3A_491 : i32 to vector<16xi32>
      %eq3A_498 = arith.cmpi eq, %add3A_374, %eq3A_497 : vector<16xi32>
      %jit3A_499 = arith.constant -3.000000e+38 : f32
      %broadcast_in_dim3A_500 = vector.broadcast %jit3A_499 : f32 to vector<16xf32>
      %select_n3A_501 = arith.select %eq3A_498, %broadcast_in_dim3A_500, %get3A_360 : vector<16xi1>, vector<16xf32>
      %eq3A_502 = vector.broadcast %min3A_491 : i32 to vector<16xi32>
      %eq3A_503 = arith.cmpi eq, %add3A_377, %eq3A_502 : vector<16xi32>
      %jit3A_504 = arith.constant -3.000000e+38 : f32
      %broadcast_in_dim3A_505 = vector.broadcast %jit3A_504 : f32 to vector<16xf32>
      %select_n3A_506 = arith.select %eq3A_503, %broadcast_in_dim3A_505, %get3A_364 : vector<16xi1>, vector<16xf32>
      %eq3A_507 = vector.broadcast %min3A_491 : i32 to vector<16xi32>
      %eq3A_508 = arith.cmpi eq, %add3A_380, %eq3A_507 : vector<16xi32>
      %jit3A_509 = arith.constant -3.000000e+38 : f32
      %broadcast_in_dim3A_510 = vector.broadcast %jit3A_509 : f32 to vector<16xf32>
      %select_n3A_511 = arith.select %eq3A_508, %broadcast_in_dim3A_510, %get3A_368 : vector<16xi1>, vector<16xf32>
      %reduce_max3A_512 = arith.constant true
      %reduce_max3A_513 = vector.broadcast %reduce_max3A_512 : i1 to vector<16xi1>
      %reduce_max3A_514 = tpu.scan <max>, %select_n3A_496 masked %reduce_max3A_513 : vector<16xf32>, vector<16xi1> -> vector<16xf32>
      %reduce_max3A_515 = vector.extract %reduce_max3A_514[15] : f32 from vector<16xf32>
      %max3A_516 = arith.constant -3.000000e+38 : f32
      %max3A_517 = arith.maximumf %max3A_516, %reduce_max3A_515 : f32
      %reduce_max3A_518 = arith.constant true
      %reduce_max3A_519 = vector.broadcast %reduce_max3A_518 : i1 to vector<16xi1>
      %reduce_max3A_520 = tpu.scan <max>, %select_n3A_501 masked %reduce_max3A_519 : vector<16xf32>, vector<16xi1> -> vector<16xf32>
      %reduce_max3A_521 = vector.extract %reduce_max3A_520[15] : f32 from vector<16xf32>
      %max3A_522 = arith.maximumf %max3A_517, %reduce_max3A_521 : f32
      %reduce_max3A_523 = arith.constant true
      %reduce_max3A_524 = vector.broadcast %reduce_max3A_523 : i1 to vector<16xi1>
      %reduce_max3A_525 = tpu.scan <max>, %select_n3A_506 masked %reduce_max3A_524 : vector<16xf32>, vector<16xi1> -> vector<16xf32>
      %reduce_max3A_526 = vector.extract %reduce_max3A_525[15] : f32 from vector<16xf32>
      %max3A_527 = arith.maximumf %max3A_522, %reduce_max3A_526 : f32
      %reduce_max3A_528 = arith.constant true
      %reduce_max3A_529 = vector.broadcast %reduce_max3A_528 : i1 to vector<16xi1>
      %reduce_max3A_530 = tpu.scan <max>, %select_n3A_511 masked %reduce_max3A_529 : vector<16xf32>, vector<16xi1> -> vector<16xf32>
      %reduce_max3A_531 = vector.extract %reduce_max3A_530[15] : f32 from vector<16xf32>
      %max3A_532 = arith.maximumf %max3A_527, %reduce_max3A_531 : f32
      %eq3A_533 = vector.broadcast %max3A_532 : f32 to vector<16xf32>
      %eq3A_534 = arith.cmpf oeq, %select_n3A_496, %eq3A_533 : vector<16xf32>
      %jit3A_535 = arith.constant 1048576 : i32
      %broadcast_in_dim3A_536 = vector.broadcast %jit3A_535 : i32 to vector<16xi32>
      %select_n3A_537 = arith.select %eq3A_534, %add3A_371, %broadcast_in_dim3A_536 : vector<16xi1>, vector<16xi32>
      %reduce_min3A_538 = arith.constant true
      %reduce_min3A_539 = vector.broadcast %reduce_min3A_538 : i1 to vector<16xi1>
      %reduce_min3A_540 = arith.constant -2147483648 : i32
      %reduce_min3A_541 = vector.broadcast %reduce_min3A_540 : i32 to vector<16xi32>
      %reduce_min3A_542 = arith.xori %select_n3A_537, %reduce_min3A_541 : vector<16xi32>
      %reduce_min3A_543 = tpu.scan <min>, %reduce_min3A_542 masked %reduce_min3A_539 : vector<16xi32>, vector<16xi1> -> vector<16xi32>
      %reduce_min3A_544 = arith.xori %reduce_min3A_543, %reduce_min3A_541 : vector<16xi32>
      %reduce_min3A_545 = vector.extract %reduce_min3A_544[15] : i32 from vector<16xi32>
      %min3A_546 = arith.constant 1048576 : i32
      %min3A_547 = arith.minsi %min3A_546, %reduce_min3A_545 : i32
      %eq3A_548 = vector.broadcast %max3A_532 : f32 to vector<16xf32>
      %eq3A_549 = arith.cmpf oeq, %select_n3A_501, %eq3A_548 : vector<16xf32>
      %jit3A_550 = arith.constant 1048576 : i32
      %broadcast_in_dim3A_551 = vector.broadcast %jit3A_550 : i32 to vector<16xi32>
      %select_n3A_552 = arith.select %eq3A_549, %add3A_374, %broadcast_in_dim3A_551 : vector<16xi1>, vector<16xi32>
      %reduce_min3A_553 = arith.constant true
      %reduce_min3A_554 = vector.broadcast %reduce_min3A_553 : i1 to vector<16xi1>
      %reduce_min3A_555 = arith.constant -2147483648 : i32
      %reduce_min3A_556 = vector.broadcast %reduce_min3A_555 : i32 to vector<16xi32>
      %reduce_min3A_557 = arith.xori %select_n3A_552, %reduce_min3A_556 : vector<16xi32>
      %reduce_min3A_558 = tpu.scan <min>, %reduce_min3A_557 masked %reduce_min3A_554 : vector<16xi32>, vector<16xi1> -> vector<16xi32>
      %reduce_min3A_559 = arith.xori %reduce_min3A_558, %reduce_min3A_556 : vector<16xi32>
      %reduce_min3A_560 = vector.extract %reduce_min3A_559[15] : i32 from vector<16xi32>
      %min3A_561 = arith.minsi %min3A_547, %reduce_min3A_560 : i32
      %eq3A_562 = vector.broadcast %max3A_532 : f32 to vector<16xf32>
      %eq3A_563 = arith.cmpf oeq, %select_n3A_506, %eq3A_562 : vector<16xf32>
      %jit3A_564 = arith.constant 1048576 : i32
      %broadcast_in_dim3A_565 = vector.broadcast %jit3A_564 : i32 to vector<16xi32>
      %select_n3A_566 = arith.select %eq3A_563, %add3A_377, %broadcast_in_dim3A_565 : vector<16xi1>, vector<16xi32>
      %reduce_min3A_567 = arith.constant true
      %reduce_min3A_568 = vector.broadcast %reduce_min3A_567 : i1 to vector<16xi1>
      %reduce_min3A_569 = arith.constant -2147483648 : i32
      %reduce_min3A_570 = vector.broadcast %reduce_min3A_569 : i32 to vector<16xi32>
      %reduce_min3A_571 = arith.xori %select_n3A_566, %reduce_min3A_570 : vector<16xi32>
      %reduce_min3A_572 = tpu.scan <min>, %reduce_min3A_571 masked %reduce_min3A_568 : vector<16xi32>, vector<16xi1> -> vector<16xi32>
      %reduce_min3A_573 = arith.xori %reduce_min3A_572, %reduce_min3A_570 : vector<16xi32>
      %reduce_min3A_574 = vector.extract %reduce_min3A_573[15] : i32 from vector<16xi32>
      %min3A_575 = arith.minsi %min3A_561, %reduce_min3A_574 : i32
      %eq3A_576 = vector.broadcast %max3A_532 : f32 to vector<16xf32>
      %eq3A_577 = arith.cmpf oeq, %select_n3A_511, %eq3A_576 : vector<16xf32>
      %jit3A_578 = arith.constant 1048576 : i32
      %broadcast_in_dim3A_579 = vector.broadcast %jit3A_578 : i32 to vector<16xi32>
      %select_n3A_580 = arith.select %eq3A_577, %add3A_380, %broadcast_in_dim3A_579 : vector<16xi1>, vector<16xi32>
      %reduce_min3A_581 = arith.constant true
      %reduce_min3A_582 = vector.broadcast %reduce_min3A_581 : i1 to vector<16xi1>
      %reduce_min3A_583 = arith.constant -2147483648 : i32
      %reduce_min3A_584 = vector.broadcast %reduce_min3A_583 : i32 to vector<16xi32>
      %reduce_min3A_585 = arith.xori %select_n3A_580, %reduce_min3A_584 : vector<16xi32>
      %reduce_min3A_586 = tpu.scan <min>, %reduce_min3A_585 masked %reduce_min3A_582 : vector<16xi32>, vector<16xi1> -> vector<16xi32>
      %reduce_min3A_587 = arith.xori %reduce_min3A_586, %reduce_min3A_584 : vector<16xi32>
      %reduce_min3A_588 = vector.extract %reduce_min3A_587[15] : i32 from vector<16xi32>
      %min3A_589 = arith.minsi %min3A_575, %reduce_min3A_588 : i32
      %eq3A_590 = vector.broadcast %min3A_589 : i32 to vector<16xi32>
      %eq3A_591 = arith.cmpi eq, %add3A_371, %eq3A_590 : vector<16xi32>
      %jit3A_592 = arith.constant 0.000000e+00 : f32
      %broadcast_in_dim3A_593 = vector.broadcast %jit3A_592 : f32 to vector<16xf32>
      %select_n3A_594 = arith.select %eq3A_591, %exp3A_404, %broadcast_in_dim3A_593 : vector<16xi1>, vector<16xf32>
      %reduce_sum3A_595 = arith.constant true
      %reduce_sum3A_596 = vector.broadcast %reduce_sum3A_595 : i1 to vector<16xi1>
      %reduce_sum3A_597 = tpu.scan <sum>, %select_n3A_594 masked %reduce_sum3A_596 : vector<16xf32>, vector<16xi1> -> vector<16xf32>
      %reduce_sum3A_598 = vector.extract %reduce_sum3A_597[15] : f32 from vector<16xf32>
      %add3A_599 = arith.constant 0.000000e+00 : f32
      %add3A_600 = arith.addf %add3A_599, %reduce_sum3A_598 : f32
      %eq3A_601 = vector.broadcast %min3A_589 : i32 to vector<16xi32>
      %eq3A_602 = arith.cmpi eq, %add3A_374, %eq3A_601 : vector<16xi32>
      %jit3A_603 = arith.constant 0.000000e+00 : f32
      %broadcast_in_dim3A_604 = vector.broadcast %jit3A_603 : f32 to vector<16xf32>
      %select_n3A_605 = arith.select %eq3A_602, %exp3A_407, %broadcast_in_dim3A_604 : vector<16xi1>, vector<16xf32>
      %reduce_sum3A_606 = arith.constant true
      %reduce_sum3A_607 = vector.broadcast %reduce_sum3A_606 : i1 to vector<16xi1>
      %reduce_sum3A_608 = tpu.scan <sum>, %select_n3A_605 masked %reduce_sum3A_607 : vector<16xf32>, vector<16xi1> -> vector<16xf32>
      %reduce_sum3A_609 = vector.extract %reduce_sum3A_608[15] : f32 from vector<16xf32>
      %add3A_610 = arith.addf %add3A_600, %reduce_sum3A_609 : f32
      %eq3A_611 = vector.broadcast %min3A_589 : i32 to vector<16xi32>
      %eq3A_612 = arith.cmpi eq, %add3A_377, %eq3A_611 : vector<16xi32>
      %jit3A_613 = arith.constant 0.000000e+00 : f32
      %broadcast_in_dim3A_614 = vector.broadcast %jit3A_613 : f32 to vector<16xf32>
      %select_n3A_615 = arith.select %eq3A_612, %exp3A_410, %broadcast_in_dim3A_614 : vector<16xi1>, vector<16xf32>
      %reduce_sum3A_616 = arith.constant true
      %reduce_sum3A_617 = vector.broadcast %reduce_sum3A_616 : i1 to vector<16xi1>
      %reduce_sum3A_618 = tpu.scan <sum>, %select_n3A_615 masked %reduce_sum3A_617 : vector<16xf32>, vector<16xi1> -> vector<16xf32>
      %reduce_sum3A_619 = vector.extract %reduce_sum3A_618[15] : f32 from vector<16xf32>
      %add3A_620 = arith.addf %add3A_610, %reduce_sum3A_619 : f32
      %eq3A_621 = vector.broadcast %min3A_589 : i32 to vector<16xi32>
      %eq3A_622 = arith.cmpi eq, %add3A_380, %eq3A_621 : vector<16xi32>
      %jit3A_623 = arith.constant 0.000000e+00 : f32
      %broadcast_in_dim3A_624 = vector.broadcast %jit3A_623 : f32 to vector<16xf32>
      %select_n3A_625 = arith.select %eq3A_622, %exp3A_413, %broadcast_in_dim3A_624 : vector<16xi1>, vector<16xf32>
      %reduce_sum3A_626 = arith.constant true
      %reduce_sum3A_627 = vector.broadcast %reduce_sum3A_626 : i1 to vector<16xi1>
      %reduce_sum3A_628 = tpu.scan <sum>, %select_n3A_625 masked %reduce_sum3A_627 : vector<16xf32>, vector<16xi1> -> vector<16xf32>
      %reduce_sum3A_629 = vector.extract %reduce_sum3A_628[15] : f32 from vector<16xf32>
      %add3A_630 = arith.addf %add3A_620, %reduce_sum3A_629 : f32
      %ge3A_631 = arith.constant 1 : i32
      %ge3A_632 = arith.cmpi sge, %reduce_max3A_19, %ge3A_631 : i32
      %jit3A_633 = arith.constant 1.000000e+00 : f32
      %jit3A_634 = arith.constant 0.000000e+00 : f32
      %select_n3A_635 = arith.select %ge3A_632, %jit3A_633, %jit3A_634 : f32
      %ge3A_636 = arith.constant 2 : i32
      %ge3A_637 = arith.cmpi sge, %reduce_max3A_19, %ge3A_636 : i32
      %jit3A_638 = arith.constant 0.000000e+00 : f32
      %select_n3A_639 = arith.select %ge3A_637, %add3A_630, %jit3A_638 : f32
      %ne3A_640 = arith.constant 0 : i32
      %ne3A_641 = arith.cmpi ne, %reduce_max3A_33, %ne3A_640 : i32
      %add3A_642 = arith.addf %select_n3A_635, %select_n3A_639 : f32
      %select_n3A_643 = arith.select %ne3A_641, %add3A_642, %add3A_434 : f32
      %eq3A_644 = arith.constant 2 : i32
      %eq3A_645 = vector.broadcast %eq3A_644 : i32 to vector<16xi32>
      %eq3A_646 = arith.cmpi eq, %iota3A, %eq3A_645 : vector<16xi32>
      %broadcast_in_dim3A_647 = vector.broadcast %min3A_491 : i32 to vector<16xi32>
      %select_n3A_648 = arith.select %eq3A_646, %broadcast_in_dim3A_647, %select_n3A_332 : vector<16xi1>, vector<16xi32>
      %eq3A_649 = arith.constant 3 : i32
      %eq3A_650 = vector.broadcast %eq3A_649 : i32 to vector<16xi32>
      %eq3A_651 = arith.cmpi eq, %iota3A, %eq3A_650 : vector<16xi32>
      %broadcast_in_dim3A_652 = vector.broadcast %min3A_589 : i32 to vector<16xi32>
      %select_n3A_653 = arith.select %eq3A_651, %broadcast_in_dim3A_652, %select_n3A_648 : vector<16xi1>, vector<16xi32>
      %eq3A_654 = arith.constant 2 : i32
      %eq3A_655 = vector.broadcast %eq3A_654 : i32 to vector<16xi32>
      %eq3A_656 = arith.cmpi eq, %iota3A, %eq3A_655 : vector<16xi32>
      %broadcast_in_dim3A_657 = vector.broadcast %select_n3A_635 : f32 to vector<16xf32>
      %select_n3A_658 = arith.select %eq3A_656, %broadcast_in_dim3A_657, %select_n3A_342 : vector<16xi1>, vector<16xf32>
      %eq3A_659 = arith.constant 3 : i32
      %eq3A_660 = vector.broadcast %eq3A_659 : i32 to vector<16xi32>
      %eq3A_661 = arith.cmpi eq, %iota3A, %eq3A_660 : vector<16xi32>
      %broadcast_in_dim3A_662 = vector.broadcast %select_n3A_639 : f32 to vector<16xf32>
      %select_n3A_663 = arith.select %eq3A_661, %broadcast_in_dim3A_662, %select_n3A_658 : vector<16xi1>, vector<16xf32>
      %eq3A_664 = arith.constant 2 : i32
      %eq3A_665 = vector.broadcast %eq3A_664 : i32 to vector<16xi32>
      %eq3A_666 = arith.cmpi eq, %iota3A, %eq3A_665 : vector<16xi32>
      %broadcast_in_dim3A_667 = vector.broadcast %select_n3A_643 : f32 to vector<16xf32>
      %select_n3A_668 = arith.select %eq3A_666, %broadcast_in_dim3A_667, %select_n3A_352 : vector<16xi1>, vector<16xf32>
      %eq3A_669 = arith.constant 3 : i32
      %eq3A_670 = vector.broadcast %eq3A_669 : i32 to vector<16xi32>
      %eq3A_671 = arith.cmpi eq, %iota3A, %eq3A_670 : vector<16xi32>
      %broadcast_in_dim3A_672 = vector.broadcast %select_n3A_643 : f32 to vector<16xf32>
      %select_n3A_673 = arith.select %eq3A_671, %broadcast_in_dim3A_672, %select_n3A_668 : vector<16xi1>, vector<16xf32>
      %get3A_674 = arith.constant 2 : i32
      %get3A_675 = arith.index_cast %get3A_674 : i32 to index
      %get3A_676 = arith.constant 0 : index
      %get3A_677 = tpu.vector_load %arg7[%get3A_675, %get3A_676] {strides = array<i32>} : memref<4x64xf32, #tpu.memory_space<vmem>>, vector<16xf32>,
      %get3A_678 = arith.constant 2 : i32
      %get3A_679 = arith.index_cast %get3A_678 : i32 to index
      %get3A_680 = arith.constant 16 : index
      %get3A_681 = tpu.vector_load %arg7[%get3A_679, %get3A_680] {strides = array<i32>} : memref<4x64xf32, #tpu.memory_space<vmem>>, vector<16xf32>,
      %get3A_682 = arith.constant 2 : i32
      %get3A_683 = arith.index_cast %get3A_682 : i32 to index
      %get3A_684 = arith.constant 32 : index
      %get3A_685 = tpu.vector_load %arg7[%get3A_683, %get3A_684] {strides = array<i32>} : memref<4x64xf32, #tpu.memory_space<vmem>>, vector<16xf32>,
      %get3A_686 = arith.constant 2 : i32
      %get3A_687 = arith.index_cast %get3A_686 : i32 to index
      %get3A_688 = arith.constant 48 : index
      %get3A_689 = tpu.vector_load %arg7[%get3A_687, %get3A_688] {strides = array<i32>} : memref<4x64xf32, #tpu.memory_space<vmem>>, vector<16xf32>,
      %add3A_690 = arith.constant 0 : i32
      %add3A_691 = vector.broadcast %add3A_690 : i32 to vector<16xi32>
      %add3A_692 = arith.addi %iota3A, %add3A_691 : vector<16xi32>
      %add3A_693 = arith.constant 16 : i32
      %add3A_694 = vector.broadcast %add3A_693 : i32 to vector<16xi32>
      %add3A_695 = arith.addi %iota3A, %add3A_694 : vector<16xi32>
      %add3A_696 = arith.constant 32 : i32
      %add3A_697 = vector.broadcast %add3A_696 : i32 to vector<16xi32>
      %add3A_698 = arith.addi %iota3A, %add3A_697 : vector<16xi32>
      %add3A_699 = arith.constant 48 : i32
      %add3A_700 = vector.broadcast %add3A_699 : i32 to vector<16xi32>
      %add3A_701 = arith.addi %iota3A, %add3A_700 : vector<16xi32>
      %reduce_max3A_702 = arith.constant true
      %reduce_max3A_703 = vector.broadcast %reduce_max3A_702 : i1 to vector<16xi1>
      %reduce_max3A_704 = tpu.scan <max>, %get3A_677 masked %reduce_max3A_703 : vector<16xf32>, vector<16xi1> -> vector<16xf32>
      %reduce_max3A_705 = vector.extract %reduce_max3A_704[15] : f32 from vector<16xf32>
      %max3A_706 = arith.constant -3.000000e+38 : f32
      %max3A_707 = arith.maximumf %max3A_706, %reduce_max3A_705 : f32
      %reduce_max3A_708 = arith.constant true
      %reduce_max3A_709 = vector.broadcast %reduce_max3A_708 : i1 to vector<16xi1>
      %reduce_max3A_710 = tpu.scan <max>, %get3A_681 masked %reduce_max3A_709 : vector<16xf32>, vector<16xi1> -> vector<16xf32>
      %reduce_max3A_711 = vector.extract %reduce_max3A_710[15] : f32 from vector<16xf32>
      %max3A_712 = arith.maximumf %max3A_707, %reduce_max3A_711 : f32
      %reduce_max3A_713 = arith.constant true
      %reduce_max3A_714 = vector.broadcast %reduce_max3A_713 : i1 to vector<16xi1>
      %reduce_max3A_715 = tpu.scan <max>, %get3A_685 masked %reduce_max3A_714 : vector<16xf32>, vector<16xi1> -> vector<16xf32>
      %reduce_max3A_716 = vector.extract %reduce_max3A_715[15] : f32 from vector<16xf32>
      %max3A_717 = arith.maximumf %max3A_712, %reduce_max3A_716 : f32
      %reduce_max3A_718 = arith.constant true
      %reduce_max3A_719 = vector.broadcast %reduce_max3A_718 : i1 to vector<16xi1>
      %reduce_max3A_720 = tpu.scan <max>, %get3A_689 masked %reduce_max3A_719 : vector<16xf32>, vector<16xi1> -> vector<16xf32>
      %reduce_max3A_721 = vector.extract %reduce_max3A_720[15] : f32 from vector<16xf32>
      %max3A_722 = arith.maximumf %max3A_717, %reduce_max3A_721 : f32
      %sub3A_723 = vector.broadcast %max3A_722 : f32 to vector<16xf32>
      %sub3A_724 = arith.subf %get3A_677, %sub3A_723 : vector<16xf32>
      %exp3A_725 = math.exp %sub3A_724 : vector<16xf32>
      %sub3A_726 = vector.broadcast %max3A_722 : f32 to vector<16xf32>
      %sub3A_727 = arith.subf %get3A_681, %sub3A_726 : vector<16xf32>
      %exp3A_728 = math.exp %sub3A_727 : vector<16xf32>
      %sub3A_729 = vector.broadcast %max3A_722 : f32 to vector<16xf32>
      %sub3A_730 = arith.subf %get3A_685, %sub3A_729 : vector<16xf32>
      %exp3A_731 = math.exp %sub3A_730 : vector<16xf32>
      %sub3A_732 = vector.broadcast %max3A_722 : f32 to vector<16xf32>
      %sub3A_733 = arith.subf %get3A_689, %sub3A_732 : vector<16xf32>
      %exp3A_734 = math.exp %sub3A_733 : vector<16xf32>
      %reduce_sum3A_735 = arith.constant true
      %reduce_sum3A_736 = vector.broadcast %reduce_sum3A_735 : i1 to vector<16xi1>
      %reduce_sum3A_737 = tpu.scan <sum>, %exp3A_725 masked %reduce_sum3A_736 : vector<16xf32>, vector<16xi1> -> vector<16xf32>
      %reduce_sum3A_738 = vector.extract %reduce_sum3A_737[15] : f32 from vector<16xf32>
      %add3A_739 = arith.constant 0.000000e+00 : f32
      %add3A_740 = arith.addf %add3A_739, %reduce_sum3A_738 : f32
      %reduce_sum3A_741 = arith.constant true
      %reduce_sum3A_742 = vector.broadcast %reduce_sum3A_741 : i1 to vector<16xi1>
      %reduce_sum3A_743 = tpu.scan <sum>, %exp3A_728 masked %reduce_sum3A_742 : vector<16xf32>, vector<16xi1> -> vector<16xf32>
      %reduce_sum3A_744 = vector.extract %reduce_sum3A_743[15] : f32 from vector<16xf32>
      %add3A_745 = arith.addf %add3A_740, %reduce_sum3A_744 : f32
      %reduce_sum3A_746 = arith.constant true
      %reduce_sum3A_747 = vector.broadcast %reduce_sum3A_746 : i1 to vector<16xi1>
      %reduce_sum3A_748 = tpu.scan <sum>, %exp3A_731 masked %reduce_sum3A_747 : vector<16xf32>, vector<16xi1> -> vector<16xf32>
      %reduce_sum3A_749 = vector.extract %reduce_sum3A_748[15] : f32 from vector<16xf32>
      %add3A_750 = arith.addf %add3A_745, %reduce_sum3A_749 : f32
      %reduce_sum3A_751 = arith.constant true
      %reduce_sum3A_752 = vector.broadcast %reduce_sum3A_751 : i1 to vector<16xi1>
      %reduce_sum3A_753 = tpu.scan <sum>, %exp3A_734 masked %reduce_sum3A_752 : vector<16xf32>, vector<16xi1> -> vector<16xf32>
      %reduce_sum3A_754 = vector.extract %reduce_sum3A_753[15] : f32 from vector<16xf32>
      %add3A_755 = arith.addf %add3A_750, %reduce_sum3A_754 : f32
      %eq3A_756 = vector.broadcast %max3A_722 : f32 to vector<16xf32>
      %eq3A_757 = arith.cmpf oeq, %get3A_677, %eq3A_756 : vector<16xf32>
      %jit3A_758 = arith.constant 1048576 : i32
      %broadcast_in_dim3A_759 = vector.broadcast %jit3A_758 : i32 to vector<16xi32>
      %select_n3A_760 = arith.select %eq3A_757, %add3A_692, %broadcast_in_dim3A_759 : vector<16xi1>, vector<16xi32>
      %reduce_min3A_761 = arith.constant true
      %reduce_min3A_762 = vector.broadcast %reduce_min3A_761 : i1 to vector<16xi1>
      %reduce_min3A_763 = arith.constant -2147483648 : i32
      %reduce_min3A_764 = vector.broadcast %reduce_min3A_763 : i32 to vector<16xi32>
      %reduce_min3A_765 = arith.xori %select_n3A_760, %reduce_min3A_764 : vector<16xi32>
      %reduce_min3A_766 = tpu.scan <min>, %reduce_min3A_765 masked %reduce_min3A_762 : vector<16xi32>, vector<16xi1> -> vector<16xi32>
      %reduce_min3A_767 = arith.xori %reduce_min3A_766, %reduce_min3A_764 : vector<16xi32>
      %reduce_min3A_768 = vector.extract %reduce_min3A_767[15] : i32 from vector<16xi32>
      %min3A_769 = arith.constant 1048576 : i32
      %min3A_770 = arith.minsi %min3A_769, %reduce_min3A_768 : i32
      %eq3A_771 = vector.broadcast %max3A_722 : f32 to vector<16xf32>
      %eq3A_772 = arith.cmpf oeq, %get3A_681, %eq3A_771 : vector<16xf32>
      %jit3A_773 = arith.constant 1048576 : i32
      %broadcast_in_dim3A_774 = vector.broadcast %jit3A_773 : i32 to vector<16xi32>
      %select_n3A_775 = arith.select %eq3A_772, %add3A_695, %broadcast_in_dim3A_774 : vector<16xi1>, vector<16xi32>
      %reduce_min3A_776 = arith.constant true
      %reduce_min3A_777 = vector.broadcast %reduce_min3A_776 : i1 to vector<16xi1>
      %reduce_min3A_778 = arith.constant -2147483648 : i32
      %reduce_min3A_779 = vector.broadcast %reduce_min3A_778 : i32 to vector<16xi32>
      %reduce_min3A_780 = arith.xori %select_n3A_775, %reduce_min3A_779 : vector<16xi32>
      %reduce_min3A_781 = tpu.scan <min>, %reduce_min3A_780 masked %reduce_min3A_777 : vector<16xi32>, vector<16xi1> -> vector<16xi32>
      %reduce_min3A_782 = arith.xori %reduce_min3A_781, %reduce_min3A_779 : vector<16xi32>
      %reduce_min3A_783 = vector.extract %reduce_min3A_782[15] : i32 from vector<16xi32>
      %min3A_784 = arith.minsi %min3A_770, %reduce_min3A_783 : i32
      %eq3A_785 = vector.broadcast %max3A_722 : f32 to vector<16xf32>
      %eq3A_786 = arith.cmpf oeq, %get3A_685, %eq3A_785 : vector<16xf32>
      %jit3A_787 = arith.constant 1048576 : i32
      %broadcast_in_dim3A_788 = vector.broadcast %jit3A_787 : i32 to vector<16xi32>
      %select_n3A_789 = arith.select %eq3A_786, %add3A_698, %broadcast_in_dim3A_788 : vector<16xi1>, vector<16xi32>
      %reduce_min3A_790 = arith.constant true
      %reduce_min3A_791 = vector.broadcast %reduce_min3A_790 : i1 to vector<16xi1>
      %reduce_min3A_792 = arith.constant -2147483648 : i32
      %reduce_min3A_793 = vector.broadcast %reduce_min3A_792 : i32 to vector<16xi32>
      %reduce_min3A_794 = arith.xori %select_n3A_789, %reduce_min3A_793 : vector<16xi32>
      %reduce_min3A_795 = tpu.scan <min>, %reduce_min3A_794 masked %reduce_min3A_791 : vector<16xi32>, vector<16xi1> -> vector<16xi32>
      %reduce_min3A_796 = arith.xori %reduce_min3A_795, %reduce_min3A_793 : vector<16xi32>
      %reduce_min3A_797 = vector.extract %reduce_min3A_796[15] : i32 from vector<16xi32>
      %min3A_798 = arith.minsi %min3A_784, %reduce_min3A_797 : i32
      %eq3A_799 = vector.broadcast %max3A_722 : f32 to vector<16xf32>
      %eq3A_800 = arith.cmpf oeq, %get3A_689, %eq3A_799 : vector<16xf32>
      %jit3A_801 = arith.constant 1048576 : i32
      %broadcast_in_dim3A_802 = vector.broadcast %jit3A_801 : i32 to vector<16xi32>
      %select_n3A_803 = arith.select %eq3A_800, %add3A_701, %broadcast_in_dim3A_802 : vector<16xi1>, vector<16xi32>
      %reduce_min3A_804 = arith.constant true
      %reduce_min3A_805 = vector.broadcast %reduce_min3A_804 : i1 to vector<16xi1>
      %reduce_min3A_806 = arith.constant -2147483648 : i32
      %reduce_min3A_807 = vector.broadcast %reduce_min3A_806 : i32 to vector<16xi32>
      %reduce_min3A_808 = arith.xori %select_n3A_803, %reduce_min3A_807 : vector<16xi32>
      %reduce_min3A_809 = tpu.scan <min>, %reduce_min3A_808 masked %reduce_min3A_805 : vector<16xi32>, vector<16xi1> -> vector<16xi32>
      %reduce_min3A_810 = arith.xori %reduce_min3A_809, %reduce_min3A_807 : vector<16xi32>
      %reduce_min3A_811 = vector.extract %reduce_min3A_810[15] : i32 from vector<16xi32>
      %min3A_812 = arith.minsi %min3A_798, %reduce_min3A_811 : i32
      %eq3A_813 = vector.broadcast %min3A_812 : i32 to vector<16xi32>
      %eq3A_814 = arith.cmpi eq, %add3A_692, %eq3A_813 : vector<16xi32>
      %jit3A_815 = arith.constant -3.000000e+38 : f32
      %broadcast_in_dim3A_816 = vector.broadcast %jit3A_815 : f32 to vector<16xf32>
      %select_n3A_817 = arith.select %eq3A_814, %broadcast_in_dim3A_816, %get3A_677 : vector<16xi1>, vector<16xf32>
      %eq3A_818 = vector.broadcast %min3A_812 : i32 to vector<16xi32>
      %eq3A_819 = arith.cmpi eq, %add3A_695, %eq3A_818 : vector<16xi32>
      %jit3A_820 = arith.constant -3.000000e+38 : f32
      %broadcast_in_dim3A_821 = vector.broadcast %jit3A_820 : f32 to vector<16xf32>
      %select_n3A_822 = arith.select %eq3A_819, %broadcast_in_dim3A_821, %get3A_681 : vector<16xi1>, vector<16xf32>
      %eq3A_823 = vector.broadcast %min3A_812 : i32 to vector<16xi32>
      %eq3A_824 = arith.cmpi eq, %add3A_698, %eq3A_823 : vector<16xi32>
      %jit3A_825 = arith.constant -3.000000e+38 : f32
      %broadcast_in_dim3A_826 = vector.broadcast %jit3A_825 : f32 to vector<16xf32>
      %select_n3A_827 = arith.select %eq3A_824, %broadcast_in_dim3A_826, %get3A_685 : vector<16xi1>, vector<16xf32>
      %eq3A_828 = vector.broadcast %min3A_812 : i32 to vector<16xi32>
      %eq3A_829 = arith.cmpi eq, %add3A_701, %eq3A_828 : vector<16xi32>
      %jit3A_830 = arith.constant -3.000000e+38 : f32
      %broadcast_in_dim3A_831 = vector.broadcast %jit3A_830 : f32 to vector<16xf32>
      %select_n3A_832 = arith.select %eq3A_829, %broadcast_in_dim3A_831, %get3A_689 : vector<16xi1>, vector<16xf32>
      %reduce_max3A_833 = arith.constant true
      %reduce_max3A_834 = vector.broadcast %reduce_max3A_833 : i1 to vector<16xi1>
      %reduce_max3A_835 = tpu.scan <max>, %select_n3A_817 masked %reduce_max3A_834 : vector<16xf32>, vector<16xi1> -> vector<16xf32>
      %reduce_max3A_836 = vector.extract %reduce_max3A_835[15] : f32 from vector<16xf32>
      %max3A_837 = arith.constant -3.000000e+38 : f32
      %max3A_838 = arith.maximumf %max3A_837, %reduce_max3A_836 : f32
      %reduce_max3A_839 = arith.constant true
      %reduce_max3A_840 = vector.broadcast %reduce_max3A_839 : i1 to vector<16xi1>
      %reduce_max3A_841 = tpu.scan <max>, %select_n3A_822 masked %reduce_max3A_840 : vector<16xf32>, vector<16xi1> -> vector<16xf32>
      %reduce_max3A_842 = vector.extract %reduce_max3A_841[15] : f32 from vector<16xf32>
      %max3A_843 = arith.maximumf %max3A_838, %reduce_max3A_842 : f32
      %reduce_max3A_844 = arith.constant true
      %reduce_max3A_845 = vector.broadcast %reduce_max3A_844 : i1 to vector<16xi1>
      %reduce_max3A_846 = tpu.scan <max>, %select_n3A_827 masked %reduce_max3A_845 : vector<16xf32>, vector<16xi1> -> vector<16xf32>
      %reduce_max3A_847 = vector.extract %reduce_max3A_846[15] : f32 from vector<16xf32>
      %max3A_848 = arith.maximumf %max3A_843, %reduce_max3A_847 : f32
      %reduce_max3A_849 = arith.constant true
      %reduce_max3A_850 = vector.broadcast %reduce_max3A_849 : i1 to vector<16xi1>
      %reduce_max3A_851 = tpu.scan <max>, %select_n3A_832 masked %reduce_max3A_850 : vector<16xf32>, vector<16xi1> -> vector<16xf32>
      %reduce_max3A_852 = vector.extract %reduce_max3A_851[15] : f32 from vector<16xf32>
      %max3A_853 = arith.maximumf %max3A_848, %reduce_max3A_852 : f32
      %eq3A_854 = vector.broadcast %max3A_853 : f32 to vector<16xf32>
      %eq3A_855 = arith.cmpf oeq, %select_n3A_817, %eq3A_854 : vector<16xf32>
      %jit3A_856 = arith.constant 1048576 : i32
      %broadcast_in_dim3A_857 = vector.broadcast %jit3A_856 : i32 to vector<16xi32>
      %select_n3A_858 = arith.select %eq3A_855, %add3A_692, %broadcast_in_dim3A_857 : vector<16xi1>, vector<16xi32>
      %reduce_min3A_859 = arith.constant true
      %reduce_min3A_860 = vector.broadcast %reduce_min3A_859 : i1 to vector<16xi1>
      %reduce_min3A_861 = arith.constant -2147483648 : i32
      %reduce_min3A_862 = vector.broadcast %reduce_min3A_861 : i32 to vector<16xi32>
      %reduce_min3A_863 = arith.xori %select_n3A_858, %reduce_min3A_862 : vector<16xi32>
      %reduce_min3A_864 = tpu.scan <min>, %reduce_min3A_863 masked %reduce_min3A_860 : vector<16xi32>, vector<16xi1> -> vector<16xi32>
      %reduce_min3A_865 = arith.xori %reduce_min3A_864, %reduce_min3A_862 : vector<16xi32>
      %reduce_min3A_866 = vector.extract %reduce_min3A_865[15] : i32 from vector<16xi32>
      %min3A_867 = arith.constant 1048576 : i32
      %min3A_868 = arith.minsi %min3A_867, %reduce_min3A_866 : i32
      %eq3A_869 = vector.broadcast %max3A_853 : f32 to vector<16xf32>
      %eq3A_870 = arith.cmpf oeq, %select_n3A_822, %eq3A_869 : vector<16xf32>
      %jit3A_871 = arith.constant 1048576 : i32
      %broadcast_in_dim3A_872 = vector.broadcast %jit3A_871 : i32 to vector<16xi32>
      %select_n3A_873 = arith.select %eq3A_870, %add3A_695, %broadcast_in_dim3A_872 : vector<16xi1>, vector<16xi32>
      %reduce_min3A_874 = arith.constant true
      %reduce_min3A_875 = vector.broadcast %reduce_min3A_874 : i1 to vector<16xi1>
      %reduce_min3A_876 = arith.constant -2147483648 : i32
      %reduce_min3A_877 = vector.broadcast %reduce_min3A_876 : i32 to vector<16xi32>
      %reduce_min3A_878 = arith.xori %select_n3A_873, %reduce_min3A_877 : vector<16xi32>
      %reduce_min3A_879 = tpu.scan <min>, %reduce_min3A_878 masked %reduce_min3A_875 : vector<16xi32>, vector<16xi1> -> vector<16xi32>
      %reduce_min3A_880 = arith.xori %reduce_min3A_879, %reduce_min3A_877 : vector<16xi32>
      %reduce_min3A_881 = vector.extract %reduce_min3A_880[15] : i32 from vector<16xi32>
      %min3A_882 = arith.minsi %min3A_868, %reduce_min3A_881 : i32
      %eq3A_883 = vector.broadcast %max3A_853 : f32 to vector<16xf32>
      %eq3A_884 = arith.cmpf oeq, %select_n3A_827, %eq3A_883 : vector<16xf32>
      %jit3A_885 = arith.constant 1048576 : i32
      %broadcast_in_dim3A_886 = vector.broadcast %jit3A_885 : i32 to vector<16xi32>
      %select_n3A_887 = arith.select %eq3A_884, %add3A_698, %broadcast_in_dim3A_886 : vector<16xi1>, vector<16xi32>
      %reduce_min3A_888 = arith.constant true
      %reduce_min3A_889 = vector.broadcast %reduce_min3A_888 : i1 to vector<16xi1>
      %reduce_min3A_890 = arith.constant -2147483648 : i32
      %reduce_min3A_891 = vector.broadcast %reduce_min3A_890 : i32 to vector<16xi32>
      %reduce_min3A_892 = arith.xori %select_n3A_887, %reduce_min3A_891 : vector<16xi32>
      %reduce_min3A_893 = tpu.scan <min>, %reduce_min3A_892 masked %reduce_min3A_889 : vector<16xi32>, vector<16xi1> -> vector<16xi32>
      %reduce_min3A_894 = arith.xori %reduce_min3A_893, %reduce_min3A_891 : vector<16xi32>
      %reduce_min3A_895 = vector.extract %reduce_min3A_894[15] : i32 from vector<16xi32>
      %min3A_896 = arith.minsi %min3A_882, %reduce_min3A_895 : i32
      %eq3A_897 = vector.broadcast %max3A_853 : f32 to vector<16xf32>
      %eq3A_898 = arith.cmpf oeq, %select_n3A_832, %eq3A_897 : vector<16xf32>
      %jit3A_899 = arith.constant 1048576 : i32
      %broadcast_in_dim3A_900 = vector.broadcast %jit3A_899 : i32 to vector<16xi32>
      %select_n3A_901 = arith.select %eq3A_898, %add3A_701, %broadcast_in_dim3A_900 : vector<16xi1>, vector<16xi32>
      %reduce_min3A_902 = arith.constant true
      %reduce_min3A_903 = vector.broadcast %reduce_min3A_902 : i1 to vector<16xi1>
      %reduce_min3A_904 = arith.constant -2147483648 : i32
      %reduce_min3A_905 = vector.broadcast %reduce_min3A_904 : i32 to vector<16xi32>
      %reduce_min3A_906 = arith.xori %select_n3A_901, %reduce_min3A_905 : vector<16xi32>
      %reduce_min3A_907 = tpu.scan <min>, %reduce_min3A_906 masked %reduce_min3A_903 : vector<16xi32>, vector<16xi1> -> vector<16xi32>
      %reduce_min3A_908 = arith.xori %reduce_min3A_907, %reduce_min3A_905 : vector<16xi32>
      %reduce_min3A_909 = vector.extract %reduce_min3A_908[15] : i32 from vector<16xi32>
      %min3A_910 = arith.minsi %min3A_896, %reduce_min3A_909 : i32
      %eq3A_911 = vector.broadcast %min3A_910 : i32 to vector<16xi32>
      %eq3A_912 = arith.cmpi eq, %add3A_692, %eq3A_911 : vector<16xi32>
      %jit3A_913 = arith.constant 0.000000e+00 : f32
      %broadcast_in_dim3A_914 = vector.broadcast %jit3A_913 : f32 to vector<16xf32>
      %select_n3A_915 = arith.select %eq3A_912, %exp3A_725, %broadcast_in_dim3A_914 : vector<16xi1>, vector<16xf32>
      %reduce_sum3A_916 = arith.constant true
      %reduce_sum3A_917 = vector.broadcast %reduce_sum3A_916 : i1 to vector<16xi1>
      %reduce_sum3A_918 = tpu.scan <sum>, %select_n3A_915 masked %reduce_sum3A_917 : vector<16xf32>, vector<16xi1> -> vector<16xf32>
      %reduce_sum3A_919 = vector.extract %reduce_sum3A_918[15] : f32 from vector<16xf32>
      %add3A_920 = arith.constant 0.000000e+00 : f32
      %add3A_921 = arith.addf %add3A_920, %reduce_sum3A_919 : f32
      %eq3A_922 = vector.broadcast %min3A_910 : i32 to vector<16xi32>
      %eq3A_923 = arith.cmpi eq, %add3A_695, %eq3A_922 : vector<16xi32>
      %jit3A_924 = arith.constant 0.000000e+00 : f32
      %broadcast_in_dim3A_925 = vector.broadcast %jit3A_924 : f32 to vector<16xf32>
      %select_n3A_926 = arith.select %eq3A_923, %exp3A_728, %broadcast_in_dim3A_925 : vector<16xi1>, vector<16xf32>
      %reduce_sum3A_927 = arith.constant true
      %reduce_sum3A_928 = vector.broadcast %reduce_sum3A_927 : i1 to vector<16xi1>
      %reduce_sum3A_929 = tpu.scan <sum>, %select_n3A_926 masked %reduce_sum3A_928 : vector<16xf32>, vector<16xi1> -> vector<16xf32>
      %reduce_sum3A_930 = vector.extract %reduce_sum3A_929[15] : f32 from vector<16xf32>
      %add3A_931 = arith.addf %add3A_921, %reduce_sum3A_930 : f32
      %eq3A_932 = vector.broadcast %min3A_910 : i32 to vector<16xi32>
      %eq3A_933 = arith.cmpi eq, %add3A_698, %eq3A_932 : vector<16xi32>
      %jit3A_934 = arith.constant 0.000000e+00 : f32
      %broadcast_in_dim3A_935 = vector.broadcast %jit3A_934 : f32 to vector<16xf32>
      %select_n3A_936 = arith.select %eq3A_933, %exp3A_731, %broadcast_in_dim3A_935 : vector<16xi1>, vector<16xf32>
      %reduce_sum3A_937 = arith.constant true
      %reduce_sum3A_938 = vector.broadcast %reduce_sum3A_937 : i1 to vector<16xi1>
      %reduce_sum3A_939 = tpu.scan <sum>, %select_n3A_936 masked %reduce_sum3A_938 : vector<16xf32>, vector<16xi1> -> vector<16xf32>
      %reduce_sum3A_940 = vector.extract %reduce_sum3A_939[15] : f32 from vector<16xf32>
      %add3A_941 = arith.addf %add3A_931, %reduce_sum3A_940 : f32
      %eq3A_942 = vector.broadcast %min3A_910 : i32 to vector<16xi32>
      %eq3A_943 = arith.cmpi eq, %add3A_701, %eq3A_942 : vector<16xi32>
      %jit3A_944 = arith.constant 0.000000e+00 : f32
      %broadcast_in_dim3A_945 = vector.broadcast %jit3A_944 : f32 to vector<16xf32>
      %select_n3A_946 = arith.select %eq3A_943, %exp3A_734, %broadcast_in_dim3A_945 : vector<16xi1>, vector<16xf32>
      %reduce_sum3A_947 = arith.constant true
      %reduce_sum3A_948 = vector.broadcast %reduce_sum3A_947 : i1 to vector<16xi1>
      %reduce_sum3A_949 = tpu.scan <sum>, %select_n3A_946 masked %reduce_sum3A_948 : vector<16xf32>, vector<16xi1> -> vector<16xf32>
      %reduce_sum3A_950 = vector.extract %reduce_sum3A_949[15] : f32 from vector<16xf32>
      %add3A_951 = arith.addf %add3A_941, %reduce_sum3A_950 : f32
      %ge3A_952 = arith.constant 1 : i32
      %ge3A_953 = arith.cmpi sge, %reduce_max3A_19, %ge3A_952 : i32
      %jit3A_954 = arith.constant 1.000000e+00 : f32
      %jit3A_955 = arith.constant 0.000000e+00 : f32
      %select_n3A_956 = arith.select %ge3A_953, %jit3A_954, %jit3A_955 : f32
      %ge3A_957 = arith.constant 2 : i32
      %ge3A_958 = arith.cmpi sge, %reduce_max3A_19, %ge3A_957 : i32
      %jit3A_959 = arith.constant 0.000000e+00 : f32
      %select_n3A_960 = arith.select %ge3A_958, %add3A_951, %jit3A_959 : f32
      %ne3A_961 = arith.constant 0 : i32
      %ne3A_962 = arith.cmpi ne, %reduce_max3A_33, %ne3A_961 : i32
      %add3A_963 = arith.addf %select_n3A_956, %select_n3A_960 : f32
      %select_n3A_964 = arith.select %ne3A_962, %add3A_963, %add3A_755 : f32
      %eq3A_965 = arith.constant 4 : i32
      %eq3A_966 = vector.broadcast %eq3A_965 : i32 to vector<16xi32>
      %eq3A_967 = arith.cmpi eq, %iota3A, %eq3A_966 : vector<16xi32>
      %broadcast_in_dim3A_968 = vector.broadcast %min3A_812 : i32 to vector<16xi32>
      %select_n3A_969 = arith.select %eq3A_967, %broadcast_in_dim3A_968, %select_n3A_653 : vector<16xi1>, vector<16xi32>
      %eq3A_970 = arith.constant 5 : i32
      %eq3A_971 = vector.broadcast %eq3A_970 : i32 to vector<16xi32>
      %eq3A_972 = arith.cmpi eq, %iota3A, %eq3A_971 : vector<16xi32>
      %broadcast_in_dim3A_973 = vector.broadcast %min3A_910 : i32 to vector<16xi32>
      %select_n3A_974 = arith.select %eq3A_972, %broadcast_in_dim3A_973, %select_n3A_969 : vector<16xi1>, vector<16xi32>
      %eq3A_975 = arith.constant 4 : i32
      %eq3A_976 = vector.broadcast %eq3A_975 : i32 to vector<16xi32>
      %eq3A_977 = arith.cmpi eq, %iota3A, %eq3A_976 : vector<16xi32>
      %broadcast_in_dim3A_978 = vector.broadcast %select_n3A_956 : f32 to vector<16xf32>
      %select_n3A_979 = arith.select %eq3A_977, %broadcast_in_dim3A_978, %select_n3A_663 : vector<16xi1>, vector<16xf32>
      %eq3A_980 = arith.constant 5 : i32
      %eq3A_981 = vector.broadcast %eq3A_980 : i32 to vector<16xi32>
      %eq3A_982 = arith.cmpi eq, %iota3A, %eq3A_981 : vector<16xi32>
      %broadcast_in_dim3A_983 = vector.broadcast %select_n3A_960 : f32 to vector<16xf32>
      %select_n3A_984 = arith.select %eq3A_982, %broadcast_in_dim3A_983, %select_n3A_979 : vector<16xi1>, vector<16xf32>
      %eq3A_985 = arith.constant 4 : i32
      %eq3A_986 = vector.broadcast %eq3A_985 : i32 to vector<16xi32>
      %eq3A_987 = arith.cmpi eq, %iota3A, %eq3A_986 : vector<16xi32>
      %broadcast_in_dim3A_988 = vector.broadcast %select_n3A_964 : f32 to vector<16xf32>
      %select_n3A_989 = arith.select %eq3A_987, %broadcast_in_dim3A_988, %select_n3A_673 : vector<16xi1>, vector<16xf32>
      %eq3A_990 = arith.constant 5 : i32
      %eq3A_991 = vector.broadcast %eq3A_990 : i32 to vector<16xi32>
      %eq3A_992 = arith.cmpi eq, %iota3A, %eq3A_991 : vector<16xi32>
      %broadcast_in_dim3A_993 = vector.broadcast %select_n3A_964 : f32 to vector<16xf32>
      %select_n3A_994 = arith.select %eq3A_992, %broadcast_in_dim3A_993, %select_n3A_989 : vector<16xi1>, vector<16xf32>
      %get3A_995 = arith.constant 3 : i32
      %get3A_996 = arith.index_cast %get3A_995 : i32 to index
      %get3A_997 = arith.constant 0 : index
      %get3A_998 = tpu.vector_load %arg7[%get3A_996, %get3A_997] {strides = array<i32>} : memref<4x64xf32, #tpu.memory_space<vmem>>, vector<16xf32>,
      %get3A_999 = arith.constant 3 : i32
      %get3A_1000 = arith.index_cast %get3A_999 : i32 to index
      %get3A_1001 = arith.constant 16 : index
      %get3A_1002 = tpu.vector_load %arg7[%get3A_1000, %get3A_1001] {strides = array<i32>} : memref<4x64xf32, #tpu.memory_space<vmem>>, vector<16xf32>,
      %get3A_1003 = arith.constant 3 : i32
      %get3A_1004 = arith.index_cast %get3A_1003 : i32 to index
      %get3A_1005 = arith.constant 32 : index
      %get3A_1006 = tpu.vector_load %arg7[%get3A_1004, %get3A_1005] {strides = array<i32>} : memref<4x64xf32, #tpu.memory_space<vmem>>, vector<16xf32>,
      %get3A_1007 = arith.constant 3 : i32
      %get3A_1008 = arith.index_cast %get3A_1007 : i32 to index
      %get3A_1009 = arith.constant 48 : index
      %get3A_1010 = tpu.vector_load %arg7[%get3A_1008, %get3A_1009] {strides = array<i32>} : memref<4x64xf32, #tpu.memory_space<vmem>>, vector<16xf32>,
      %add3A_1011 = arith.constant 0 : i32
      %add3A_1012 = vector.broadcast %add3A_1011 : i32 to vector<16xi32>
      %add3A_1013 = arith.addi %iota3A, %add3A_1012 : vector<16xi32>
      %add3A_1014 = arith.constant 16 : i32
      %add3A_1015 = vector.broadcast %add3A_1014 : i32 to vector<16xi32>
      %add3A_1016 = arith.addi %iota3A, %add3A_1015 : vector<16xi32>
      %add3A_1017 = arith.constant 32 : i32
      %add3A_1018 = vector.broadcast %add3A_1017 : i32 to vector<16xi32>
      %add3A_1019 = arith.addi %iota3A, %add3A_1018 : vector<16xi32>
      %add3A_1020 = arith.constant 48 : i32
      %add3A_1021 = vector.broadcast %add3A_1020 : i32 to vector<16xi32>
      %add3A_1022 = arith.addi %iota3A, %add3A_1021 : vector<16xi32>
      %reduce_max3A_1023 = arith.constant true
      %reduce_max3A_1024 = vector.broadcast %reduce_max3A_1023 : i1 to vector<16xi1>
      %reduce_max3A_1025 = tpu.scan <max>, %get3A_998 masked %reduce_max3A_1024 : vector<16xf32>, vector<16xi1> -> vector<16xf32>
      %reduce_max3A_1026 = vector.extract %reduce_max3A_1025[15] : f32 from vector<16xf32>
      %max3A_1027 = arith.constant -3.000000e+38 : f32
      %max3A_1028 = arith.maximumf %max3A_1027, %reduce_max3A_1026 : f32
      %reduce_max3A_1029 = arith.constant true
      %reduce_max3A_1030 = vector.broadcast %reduce_max3A_1029 : i1 to vector<16xi1>
      %reduce_max3A_1031 = tpu.scan <max>, %get3A_1002 masked %reduce_max3A_1030 : vector<16xf32>, vector<16xi1> -> vector<16xf32>
      %reduce_max3A_1032 = vector.extract %reduce_max3A_1031[15] : f32 from vector<16xf32>
      %max3A_1033 = arith.maximumf %max3A_1028, %reduce_max3A_1032 : f32
      %reduce_max3A_1034 = arith.constant true
      %reduce_max3A_1035 = vector.broadcast %reduce_max3A_1034 : i1 to vector<16xi1>
      %reduce_max3A_1036 = tpu.scan <max>, %get3A_1006 masked %reduce_max3A_1035 : vector<16xf32>, vector<16xi1> -> vector<16xf32>
      %reduce_max3A_1037 = vector.extract %reduce_max3A_1036[15] : f32 from vector<16xf32>
      %max3A_1038 = arith.maximumf %max3A_1033, %reduce_max3A_1037 : f32
      %reduce_max3A_1039 = arith.constant true
      %reduce_max3A_1040 = vector.broadcast %reduce_max3A_1039 : i1 to vector<16xi1>
      %reduce_max3A_1041 = tpu.scan <max>, %get3A_1010 masked %reduce_max3A_1040 : vector<16xf32>, vector<16xi1> -> vector<16xf32>
      %reduce_max3A_1042 = vector.extract %reduce_max3A_1041[15] : f32 from vector<16xf32>
      %max3A_1043 = arith.maximumf %max3A_1038, %reduce_max3A_1042 : f32
      %sub3A_1044 = vector.broadcast %max3A_1043 : f32 to vector<16xf32>
      %sub3A_1045 = arith.subf %get3A_998, %sub3A_1044 : vector<16xf32>
      %exp3A_1046 = math.exp %sub3A_1045 : vector<16xf32>
      %sub3A_1047 = vector.broadcast %max3A_1043 : f32 to vector<16xf32>
      %sub3A_1048 = arith.subf %get3A_1002, %sub3A_1047 : vector<16xf32>
      %exp3A_1049 = math.exp %sub3A_1048 : vector<16xf32>
      %sub3A_1050 = vector.broadcast %max3A_1043 : f32 to vector<16xf32>
      %sub3A_1051 = arith.subf %get3A_1006, %sub3A_1050 : vector<16xf32>
      %exp3A_1052 = math.exp %sub3A_1051 : vector<16xf32>
      %sub3A_1053 = vector.broadcast %max3A_1043 : f32 to vector<16xf32>
      %sub3A_1054 = arith.subf %get3A_1010, %sub3A_1053 : vector<16xf32>
      %exp3A_1055 = math.exp %sub3A_1054 : vector<16xf32>
      %reduce_sum3A_1056 = arith.constant true
      %reduce_sum3A_1057 = vector.broadcast %reduce_sum3A_1056 : i1 to vector<16xi1>
      %reduce_sum3A_1058 = tpu.scan <sum>, %exp3A_1046 masked %reduce_sum3A_1057 : vector<16xf32>, vector<16xi1> -> vector<16xf32>
      %reduce_sum3A_1059 = vector.extract %reduce_sum3A_1058[15] : f32 from vector<16xf32>
      %add3A_1060 = arith.constant 0.000000e+00 : f32
      %add3A_1061 = arith.addf %add3A_1060, %reduce_sum3A_1059 : f32
      %reduce_sum3A_1062 = arith.constant true
      %reduce_sum3A_1063 = vector.broadcast %reduce_sum3A_1062 : i1 to vector<16xi1>
      %reduce_sum3A_1064 = tpu.scan <sum>, %exp3A_1049 masked %reduce_sum3A_1063 : vector<16xf32>, vector<16xi1> -> vector<16xf32>
      %reduce_sum3A_1065 = vector.extract %reduce_sum3A_1064[15] : f32 from vector<16xf32>
      %add3A_1066 = arith.addf %add3A_1061, %reduce_sum3A_1065 : f32
      %reduce_sum3A_1067 = arith.constant true
      %reduce_sum3A_1068 = vector.broadcast %reduce_sum3A_1067 : i1 to vector<16xi1>
      %reduce_sum3A_1069 = tpu.scan <sum>, %exp3A_1052 masked %reduce_sum3A_1068 : vector<16xf32>, vector<16xi1> -> vector<16xf32>
      %reduce_sum3A_1070 = vector.extract %reduce_sum3A_1069[15] : f32 from vector<16xf32>
      %add3A_1071 = arith.addf %add3A_1066, %reduce_sum3A_1070 : f32
      %reduce_sum3A_1072 = arith.constant true
      %reduce_sum3A_1073 = vector.broadcast %reduce_sum3A_1072 : i1 to vector<16xi1>
      %reduce_sum3A_1074 = tpu.scan <sum>, %exp3A_1055 masked %reduce_sum3A_1073 : vector<16xf32>, vector<16xi1> -> vector<16xf32>
      %reduce_sum3A_1075 = vector.extract %reduce_sum3A_1074[15] : f32 from vector<16xf32>
      %add3A_1076 = arith.addf %add3A_1071, %reduce_sum3A_1075 : f32
      %eq3A_1077 = vector.broadcast %max3A_1043 : f32 to vector<16xf32>
      %eq3A_1078 = arith.cmpf oeq, %get3A_998, %eq3A_1077 : vector<16xf32>
      %jit3A_1079 = arith.constant 1048576 : i32
      %broadcast_in_dim3A_1080 = vector.broadcast %jit3A_1079 : i32 to vector<16xi32>
      %select_n3A_1081 = arith.select %eq3A_1078, %add3A_1013, %broadcast_in_dim3A_1080 : vector<16xi1>, vector<16xi32>
      %reduce_min3A_1082 = arith.constant true
      %reduce_min3A_1083 = vector.broadcast %reduce_min3A_1082 : i1 to vector<16xi1>
      %reduce_min3A_1084 = arith.constant -2147483648 : i32
      %reduce_min3A_1085 = vector.broadcast %reduce_min3A_1084 : i32 to vector<16xi32>
      %reduce_min3A_1086 = arith.xori %select_n3A_1081, %reduce_min3A_1085 : vector<16xi32>
      %reduce_min3A_1087 = tpu.scan <min>, %reduce_min3A_1086 masked %reduce_min3A_1083 : vector<16xi32>, vector<16xi1> -> vector<16xi32>
      %reduce_min3A_1088 = arith.xori %reduce_min3A_1087, %reduce_min3A_1085 : vector<16xi32>
      %reduce_min3A_1089 = vector.extract %reduce_min3A_1088[15] : i32 from vector<16xi32>
      %min3A_1090 = arith.constant 1048576 : i32
      %min3A_1091 = arith.minsi %min3A_1090, %reduce_min3A_1089 : i32
      %eq3A_1092 = vector.broadcast %max3A_1043 : f32 to vector<16xf32>
      %eq3A_1093 = arith.cmpf oeq, %get3A_1002, %eq3A_1092 : vector<16xf32>
      %jit3A_1094 = arith.constant 1048576 : i32
      %broadcast_in_dim3A_1095 = vector.broadcast %jit3A_1094 : i32 to vector<16xi32>
      %select_n3A_1096 = arith.select %eq3A_1093, %add3A_1016, %broadcast_in_dim3A_1095 : vector<16xi1>, vector<16xi32>
      %reduce_min3A_1097 = arith.constant true
      %reduce_min3A_1098 = vector.broadcast %reduce_min3A_1097 : i1 to vector<16xi1>
      %reduce_min3A_1099 = arith.constant -2147483648 : i32
      %reduce_min3A_1100 = vector.broadcast %reduce_min3A_1099 : i32 to vector<16xi32>
      %reduce_min3A_1101 = arith.xori %select_n3A_1096, %reduce_min3A_1100 : vector<16xi32>
      %reduce_min3A_1102 = tpu.scan <min>, %reduce_min3A_1101 masked %reduce_min3A_1098 : vector<16xi32>, vector<16xi1> -> vector<16xi32>
      %reduce_min3A_1103 = arith.xori %reduce_min3A_1102, %reduce_min3A_1100 : vector<16xi32>
      %reduce_min3A_1104 = vector.extract %reduce_min3A_1103[15] : i32 from vector<16xi32>
      %min3A_1105 = arith.minsi %min3A_1091, %reduce_min3A_1104 : i32
      %eq3A_1106 = vector.broadcast %max3A_1043 : f32 to vector<16xf32>
      %eq3A_1107 = arith.cmpf oeq, %get3A_1006, %eq3A_1106 : vector<16xf32>
      %jit3A_1108 = arith.constant 1048576 : i32
      %broadcast_in_dim3A_1109 = vector.broadcast %jit3A_1108 : i32 to vector<16xi32>
      %select_n3A_1110 = arith.select %eq3A_1107, %add3A_1019, %broadcast_in_dim3A_1109 : vector<16xi1>, vector<16xi32>
      %reduce_min3A_1111 = arith.constant true
      %reduce_min3A_1112 = vector.broadcast %reduce_min3A_1111 : i1 to vector<16xi1>
      %reduce_min3A_1113 = arith.constant -2147483648 : i32
      %reduce_min3A_1114 = vector.broadcast %reduce_min3A_1113 : i32 to vector<16xi32>
      %reduce_min3A_1115 = arith.xori %select_n3A_1110, %reduce_min3A_1114 : vector<16xi32>
      %reduce_min3A_1116 = tpu.scan <min>, %reduce_min3A_1115 masked %reduce_min3A_1112 : vector<16xi32>, vector<16xi1> -> vector<16xi32>
      %reduce_min3A_1117 = arith.xori %reduce_min3A_1116, %reduce_min3A_1114 : vector<16xi32>
      %reduce_min3A_1118 = vector.extract %reduce_min3A_1117[15] : i32 from vector<16xi32>
      %min3A_1119 = arith.minsi %min3A_1105, %reduce_min3A_1118 : i32
      %eq3A_1120 = vector.broadcast %max3A_1043 : f32 to vector<16xf32>
      %eq3A_1121 = arith.cmpf oeq, %get3A_1010, %eq3A_1120 : vector<16xf32>
      %jit3A_1122 = arith.constant 1048576 : i32
      %broadcast_in_dim3A_1123 = vector.broadcast %jit3A_1122 : i32 to vector<16xi32>
      %select_n3A_1124 = arith.select %eq3A_1121, %add3A_1022, %broadcast_in_dim3A_1123 : vector<16xi1>, vector<16xi32>
      %reduce_min3A_1125 = arith.constant true
      %reduce_min3A_1126 = vector.broadcast %reduce_min3A_1125 : i1 to vector<16xi1>
      %reduce_min3A_1127 = arith.constant -2147483648 : i32
      %reduce_min3A_1128 = vector.broadcast %reduce_min3A_1127 : i32 to vector<16xi32>
      %reduce_min3A_1129 = arith.xori %select_n3A_1124, %reduce_min3A_1128 : vector<16xi32>
      %reduce_min3A_1130 = tpu.scan <min>, %reduce_min3A_1129 masked %reduce_min3A_1126 : vector<16xi32>, vector<16xi1> -> vector<16xi32>
      %reduce_min3A_1131 = arith.xori %reduce_min3A_1130, %reduce_min3A_1128 : vector<16xi32>
      %reduce_min3A_1132 = vector.extract %reduce_min3A_1131[15] : i32 from vector<16xi32>
      %min3A_1133 = arith.minsi %min3A_1119, %reduce_min3A_1132 : i32
      %eq3A_1134 = vector.broadcast %min3A_1133 : i32 to vector<16xi32>
      %eq3A_1135 = arith.cmpi eq, %add3A_1013, %eq3A_1134 : vector<16xi32>
      %jit3A_1136 = arith.constant -3.000000e+38 : f32
      %broadcast_in_dim3A_1137 = vector.broadcast %jit3A_1136 : f32 to vector<16xf32>
      %select_n3A_1138 = arith.select %eq3A_1135, %broadcast_in_dim3A_1137, %get3A_998 : vector<16xi1>, vector<16xf32>
      %eq3A_1139 = vector.broadcast %min3A_1133 : i32 to vector<16xi32>
      %eq3A_1140 = arith.cmpi eq, %add3A_1016, %eq3A_1139 : vector<16xi32>
      %jit3A_1141 = arith.constant -3.000000e+38 : f32
      %broadcast_in_dim3A_1142 = vector.broadcast %jit3A_1141 : f32 to vector<16xf32>
      %select_n3A_1143 = arith.select %eq3A_1140, %broadcast_in_dim3A_1142, %get3A_1002 : vector<16xi1>, vector<16xf32>
      %eq3A_1144 = vector.broadcast %min3A_1133 : i32 to vector<16xi32>
      %eq3A_1145 = arith.cmpi eq, %add3A_1019, %eq3A_1144 : vector<16xi32>
      %jit3A_1146 = arith.constant -3.000000e+38 : f32
      %broadcast_in_dim3A_1147 = vector.broadcast %jit3A_1146 : f32 to vector<16xf32>
      %select_n3A_1148 = arith.select %eq3A_1145, %broadcast_in_dim3A_1147, %get3A_1006 : vector<16xi1>, vector<16xf32>
      %eq3A_1149 = vector.broadcast %min3A_1133 : i32 to vector<16xi32>
      %eq3A_1150 = arith.cmpi eq, %add3A_1022, %eq3A_1149 : vector<16xi32>
      %jit3A_1151 = arith.constant -3.000000e+38 : f32
      %broadcast_in_dim3A_1152 = vector.broadcast %jit3A_1151 : f32 to vector<16xf32>
      %select_n3A_1153 = arith.select %eq3A_1150, %broadcast_in_dim3A_1152, %get3A_1010 : vector<16xi1>, vector<16xf32>
      %reduce_max3A_1154 = arith.constant true
      %reduce_max3A_1155 = vector.broadcast %reduce_max3A_1154 : i1 to vector<16xi1>
      %reduce_max3A_1156 = tpu.scan <max>, %select_n3A_1138 masked %reduce_max3A_1155 : vector<16xf32>, vector<16xi1> -> vector<16xf32>
      %reduce_max3A_1157 = vector.extract %reduce_max3A_1156[15] : f32 from vector<16xf32>
      %max3A_1158 = arith.constant -3.000000e+38 : f32
      %max3A_1159 = arith.maximumf %max3A_1158, %reduce_max3A_1157 : f32
      %reduce_max3A_1160 = arith.constant true
      %reduce_max3A_1161 = vector.broadcast %reduce_max3A_1160 : i1 to vector<16xi1>
      %reduce_max3A_1162 = tpu.scan <max>, %select_n3A_1143 masked %reduce_max3A_1161 : vector<16xf32>, vector<16xi1> -> vector<16xf32>
      %reduce_max3A_1163 = vector.extract %reduce_max3A_1162[15] : f32 from vector<16xf32>
      %max3A_1164 = arith.maximumf %max3A_1159, %reduce_max3A_1163 : f32
      %reduce_max3A_1165 = arith.constant true
      %reduce_max3A_1166 = vector.broadcast %reduce_max3A_1165 : i1 to vector<16xi1>
      %reduce_max3A_1167 = tpu.scan <max>, %select_n3A_1148 masked %reduce_max3A_1166 : vector<16xf32>, vector<16xi1> -> vector<16xf32>
      %reduce_max3A_1168 = vector.extract %reduce_max3A_1167[15] : f32 from vector<16xf32>
      %max3A_1169 = arith.maximumf %max3A_1164, %reduce_max3A_1168 : f32
      %reduce_max3A_1170 = arith.constant true
      %reduce_max3A_1171 = vector.broadcast %reduce_max3A_1170 : i1 to vector<16xi1>
      %reduce_max3A_1172 = tpu.scan <max>, %select_n3A_1153 masked %reduce_max3A_1171 : vector<16xf32>, vector<16xi1> -> vector<16xf32>
      %reduce_max3A_1173 = vector.extract %reduce_max3A_1172[15] : f32 from vector<16xf32>
      %max3A_1174 = arith.maximumf %max3A_1169, %reduce_max3A_1173 : f32
      %eq3A_1175 = vector.broadcast %max3A_1174 : f32 to vector<16xf32>
      %eq3A_1176 = arith.cmpf oeq, %select_n3A_1138, %eq3A_1175 : vector<16xf32>
      %jit3A_1177 = arith.constant 1048576 : i32
      %broadcast_in_dim3A_1178 = vector.broadcast %jit3A_1177 : i32 to vector<16xi32>
      %select_n3A_1179 = arith.select %eq3A_1176, %add3A_1013, %broadcast_in_dim3A_1178 : vector<16xi1>, vector<16xi32>
      %reduce_min3A_1180 = arith.constant true
      %reduce_min3A_1181 = vector.broadcast %reduce_min3A_1180 : i1 to vector<16xi1>
      %reduce_min3A_1182 = arith.constant -2147483648 : i32
      %reduce_min3A_1183 = vector.broadcast %reduce_min3A_1182 : i32 to vector<16xi32>
      %reduce_min3A_1184 = arith.xori %select_n3A_1179, %reduce_min3A_1183 : vector<16xi32>
      %reduce_min3A_1185 = tpu.scan <min>, %reduce_min3A_1184 masked %reduce_min3A_1181 : vector<16xi32>, vector<16xi1> -> vector<16xi32>
      %reduce_min3A_1186 = arith.xori %reduce_min3A_1185, %reduce_min3A_1183 : vector<16xi32>
      %reduce_min3A_1187 = vector.extract %reduce_min3A_1186[15] : i32 from vector<16xi32>
      %min3A_1188 = arith.constant 1048576 : i32
      %min3A_1189 = arith.minsi %min3A_1188, %reduce_min3A_1187 : i32
      %eq3A_1190 = vector.broadcast %max3A_1174 : f32 to vector<16xf32>
      %eq3A_1191 = arith.cmpf oeq, %select_n3A_1143, %eq3A_1190 : vector<16xf32>
      %jit3A_1192 = arith.constant 1048576 : i32
      %broadcast_in_dim3A_1193 = vector.broadcast %jit3A_1192 : i32 to vector<16xi32>
      %select_n3A_1194 = arith.select %eq3A_1191, %add3A_1016, %broadcast_in_dim3A_1193 : vector<16xi1>, vector<16xi32>
      %reduce_min3A_1195 = arith.constant true
      %reduce_min3A_1196 = vector.broadcast %reduce_min3A_1195 : i1 to vector<16xi1>
      %reduce_min3A_1197 = arith.constant -2147483648 : i32
      %reduce_min3A_1198 = vector.broadcast %reduce_min3A_1197 : i32 to vector<16xi32>
      %reduce_min3A_1199 = arith.xori %select_n3A_1194, %reduce_min3A_1198 : vector<16xi32>
      %reduce_min3A_1200 = tpu.scan <min>, %reduce_min3A_1199 masked %reduce_min3A_1196 : vector<16xi32>, vector<16xi1> -> vector<16xi32>
      %reduce_min3A_1201 = arith.xori %reduce_min3A_1200, %reduce_min3A_1198 : vector<16xi32>
      %reduce_min3A_1202 = vector.extract %reduce_min3A_1201[15] : i32 from vector<16xi32>
      %min3A_1203 = arith.minsi %min3A_1189, %reduce_min3A_1202 : i32
      %eq3A_1204 = vector.broadcast %max3A_1174 : f32 to vector<16xf32>
      %eq3A_1205 = arith.cmpf oeq, %select_n3A_1148, %eq3A_1204 : vector<16xf32>
      %jit3A_1206 = arith.constant 1048576 : i32
      %broadcast_in_dim3A_1207 = vector.broadcast %jit3A_1206 : i32 to vector<16xi32>
      %select_n3A_1208 = arith.select %eq3A_1205, %add3A_1019, %broadcast_in_dim3A_1207 : vector<16xi1>, vector<16xi32>
      %reduce_min3A_1209 = arith.constant true
      %reduce_min3A_1210 = vector.broadcast %reduce_min3A_1209 : i1 to vector<16xi1>
      %reduce_min3A_1211 = arith.constant -2147483648 : i32
      %reduce_min3A_1212 = vector.broadcast %reduce_min3A_1211 : i32 to vector<16xi32>
      %reduce_min3A_1213 = arith.xori %select_n3A_1208, %reduce_min3A_1212 : vector<16xi32>
      %reduce_min3A_1214 = tpu.scan <min>, %reduce_min3A_1213 masked %reduce_min3A_1210 : vector<16xi32>, vector<16xi1> -> vector<16xi32>
      %reduce_min3A_1215 = arith.xori %reduce_min3A_1214, %reduce_min3A_1212 : vector<16xi32>
      %reduce_min3A_1216 = vector.extract %reduce_min3A_1215[15] : i32 from vector<16xi32>
      %min3A_1217 = arith.minsi %min3A_1203, %reduce_min3A_1216 : i32
      %eq3A_1218 = vector.broadcast %max3A_1174 : f32 to vector<16xf32>
      %eq3A_1219 = arith.cmpf oeq, %select_n3A_1153, %eq3A_1218 : vector<16xf32>
      %jit3A_1220 = arith.constant 1048576 : i32
      %broadcast_in_dim3A_1221 = vector.broadcast %jit3A_1220 : i32 to vector<16xi32>
      %select_n3A_1222 = arith.select %eq3A_1219, %add3A_1022, %broadcast_in_dim3A_1221 : vector<16xi1>, vector<16xi32>
      %reduce_min3A_1223 = arith.constant true
      %reduce_min3A_1224 = vector.broadcast %reduce_min3A_1223 : i1 to vector<16xi1>
      %reduce_min3A_1225 = arith.constant -2147483648 : i32
      %reduce_min3A_1226 = vector.broadcast %reduce_min3A_1225 : i32 to vector<16xi32>
      %reduce_min3A_1227 = arith.xori %select_n3A_1222, %reduce_min3A_1226 : vector<16xi32>
      %reduce_min3A_1228 = tpu.scan <min>, %reduce_min3A_1227 masked %reduce_min3A_1224 : vector<16xi32>, vector<16xi1> -> vector<16xi32>
      %reduce_min3A_1229 = arith.xori %reduce_min3A_1228, %reduce_min3A_1226 : vector<16xi32>
      %reduce_min3A_1230 = vector.extract %reduce_min3A_1229[15] : i32 from vector<16xi32>
      %min3A_1231 = arith.minsi %min3A_1217, %reduce_min3A_1230 : i32
      %eq3A_1232 = vector.broadcast %min3A_1231 : i32 to vector<16xi32>
      %eq3A_1233 = arith.cmpi eq, %add3A_1013, %eq3A_1232 : vector<16xi32>
      %jit3A_1234 = arith.constant 0.000000e+00 : f32
      %broadcast_in_dim3A_1235 = vector.broadcast %jit3A_1234 : f32 to vector<16xf32>
      %select_n3A_1236 = arith.select %eq3A_1233, %exp3A_1046, %broadcast_in_dim3A_1235 : vector<16xi1>, vector<16xf32>
      %reduce_sum3A_1237 = arith.constant true
      %reduce_sum3A_1238 = vector.broadcast %reduce_sum3A_1237 : i1 to vector<16xi1>
      %reduce_sum3A_1239 = tpu.scan <sum>, %select_n3A_1236 masked %reduce_sum3A_1238 : vector<16xf32>, vector<16xi1> -> vector<16xf32>
      %reduce_sum3A_1240 = vector.extract %reduce_sum3A_1239[15] : f32 from vector<16xf32>
      %add3A_1241 = arith.constant 0.000000e+00 : f32
      %add3A_1242 = arith.addf %add3A_1241, %reduce_sum3A_1240 : f32
      %eq3A_1243 = vector.broadcast %min3A_1231 : i32 to vector<16xi32>
      %eq3A_1244 = arith.cmpi eq, %add3A_1016, %eq3A_1243 : vector<16xi32>
      %jit3A_1245 = arith.constant 0.000000e+00 : f32
      %broadcast_in_dim3A_1246 = vector.broadcast %jit3A_1245 : f32 to vector<16xf32>
      %select_n3A_1247 = arith.select %eq3A_1244, %exp3A_1049, %broadcast_in_dim3A_1246 : vector<16xi1>, vector<16xf32>
      %reduce_sum3A_1248 = arith.constant true
      %reduce_sum3A_1249 = vector.broadcast %reduce_sum3A_1248 : i1 to vector<16xi1>
      %reduce_sum3A_1250 = tpu.scan <sum>, %select_n3A_1247 masked %reduce_sum3A_1249 : vector<16xf32>, vector<16xi1> -> vector<16xf32>
      %reduce_sum3A_1251 = vector.extract %reduce_sum3A_1250[15] : f32 from vector<16xf32>
      %add3A_1252 = arith.addf %add3A_1242, %reduce_sum3A_1251 : f32
      %eq3A_1253 = vector.broadcast %min3A_1231 : i32 to vector<16xi32>
      %eq3A_1254 = arith.cmpi eq, %add3A_1019, %eq3A_1253 : vector<16xi32>
      %jit3A_1255 = arith.constant 0.000000e+00 : f32
      %broadcast_in_dim3A_1256 = vector.broadcast %jit3A_1255 : f32 to vector<16xf32>
      %select_n3A_1257 = arith.select %eq3A_1254, %exp3A_1052, %broadcast_in_dim3A_1256 : vector<16xi1>, vector<16xf32>
      %reduce_sum3A_1258 = arith.constant true
      %reduce_sum3A_1259 = vector.broadcast %reduce_sum3A_1258 : i1 to vector<16xi1>
      %reduce_sum3A_1260 = tpu.scan <sum>, %select_n3A_1257 masked %reduce_sum3A_1259 : vector<16xf32>, vector<16xi1> -> vector<16xf32>
      %reduce_sum3A_1261 = vector.extract %reduce_sum3A_1260[15] : f32 from vector<16xf32>
      %add3A_1262 = arith.addf %add3A_1252, %reduce_sum3A_1261 : f32
      %eq3A_1263 = vector.broadcast %min3A_1231 : i32 to vector<16xi32>
      %eq3A_1264 = arith.cmpi eq, %add3A_1022, %eq3A_1263 : vector<16xi32>
      %jit3A_1265 = arith.constant 0.000000e+00 : f32
      %broadcast_in_dim3A_1266 = vector.broadcast %jit3A_1265 : f32 to vector<16xf32>
      %select_n3A_1267 = arith.select %eq3A_1264, %exp3A_1055, %broadcast_in_dim3A_1266 : vector<16xi1>, vector<16xf32>
      %reduce_sum3A_1268 = arith.constant true
      %reduce_sum3A_1269 = vector.broadcast %reduce_sum3A_1268 : i1 to vector<16xi1>
      %reduce_sum3A_1270 = tpu.scan <sum>, %select_n3A_1267 masked %reduce_sum3A_1269 : vector<16xf32>, vector<16xi1> -> vector<16xf32>
      %reduce_sum3A_1271 = vector.extract %reduce_sum3A_1270[15] : f32 from vector<16xf32>
      %add3A_1272 = arith.addf %add3A_1262, %reduce_sum3A_1271 : f32
      %ge3A_1273 = arith.constant 1 : i32
      %ge3A_1274 = arith.cmpi sge, %reduce_max3A_19, %ge3A_1273 : i32
      %jit3A_1275 = arith.constant 1.000000e+00 : f32
      %jit3A_1276 = arith.constant 0.000000e+00 : f32
      %select_n3A_1277 = arith.select %ge3A_1274, %jit3A_1275, %jit3A_1276 : f32
      %ge3A_1278 = arith.constant 2 : i32
      %ge3A_1279 = arith.cmpi sge, %reduce_max3A_19, %ge3A_1278 : i32
      %jit3A_1280 = arith.constant 0.000000e+00 : f32
      %select_n3A_1281 = arith.select %ge3A_1279, %add3A_1272, %jit3A_1280 : f32
      %ne3A_1282 = arith.constant 0 : i32
      %ne3A_1283 = arith.cmpi ne, %reduce_max3A_33, %ne3A_1282 : i32
      %add3A_1284 = arith.addf %select_n3A_1277, %select_n3A_1281 : f32
      %select_n3A_1285 = arith.select %ne3A_1283, %add3A_1284, %add3A_1076 : f32
      %eq3A_1286 = arith.constant 6 : i32
      %eq3A_1287 = vector.broadcast %eq3A_1286 : i32 to vector<16xi32>
      %eq3A_1288 = arith.cmpi eq, %iota3A, %eq3A_1287 : vector<16xi32>
      %broadcast_in_dim3A_1289 = vector.broadcast %min3A_1133 : i32 to vector<16xi32>
      %select_n3A_1290 = arith.select %eq3A_1288, %broadcast_in_dim3A_1289, %select_n3A_974 : vector<16xi1>, vector<16xi32>
      %eq3A_1291 = arith.constant 7 : i32
      %eq3A_1292 = vector.broadcast %eq3A_1291 : i32 to vector<16xi32>
      %eq3A_1293 = arith.cmpi eq, %iota3A, %eq3A_1292 : vector<16xi32>
      %broadcast_in_dim3A_1294 = vector.broadcast %min3A_1231 : i32 to vector<16xi32>
      %select_n3A_1295 = arith.select %eq3A_1293, %broadcast_in_dim3A_1294, %select_n3A_1290 : vector<16xi1>, vector<16xi32>
      %eq3A_1296 = arith.constant 6 : i32
      %eq3A_1297 = vector.broadcast %eq3A_1296 : i32 to vector<16xi32>
      %eq3A_1298 = arith.cmpi eq, %iota3A, %eq3A_1297 : vector<16xi32>
      %broadcast_in_dim3A_1299 = vector.broadcast %select_n3A_1277 : f32 to vector<16xf32>
      %select_n3A_1300 = arith.select %eq3A_1298, %broadcast_in_dim3A_1299, %select_n3A_984 : vector<16xi1>, vector<16xf32>
      %eq3A_1301 = arith.constant 7 : i32
      %eq3A_1302 = vector.broadcast %eq3A_1301 : i32 to vector<16xi32>
      %eq3A_1303 = arith.cmpi eq, %iota3A, %eq3A_1302 : vector<16xi32>
      %broadcast_in_dim3A_1304 = vector.broadcast %select_n3A_1281 : f32 to vector<16xf32>
      %select_n3A_1305 = arith.select %eq3A_1303, %broadcast_in_dim3A_1304, %select_n3A_1300 : vector<16xi1>, vector<16xf32>
      %eq3A_1306 = arith.constant 6 : i32
      %eq3A_1307 = vector.broadcast %eq3A_1306 : i32 to vector<16xi32>
      %eq3A_1308 = arith.cmpi eq, %iota3A, %eq3A_1307 : vector<16xi32>
      %broadcast_in_dim3A_1309 = vector.broadcast %select_n3A_1285 : f32 to vector<16xf32>
      %select_n3A_1310 = arith.select %eq3A_1308, %broadcast_in_dim3A_1309, %select_n3A_994 : vector<16xi1>, vector<16xf32>
      %eq3A_1311 = arith.constant 7 : i32
      %eq3A_1312 = vector.broadcast %eq3A_1311 : i32 to vector<16xi32>
      %eq3A_1313 = arith.cmpi eq, %iota3A, %eq3A_1312 : vector<16xi32>
      %broadcast_in_dim3A_1314 = vector.broadcast %select_n3A_1285 : f32 to vector<16xf32>
      %select_n3A_1315 = arith.select %eq3A_1313, %broadcast_in_dim3A_1314, %select_n3A_1310 : vector<16xi1>, vector<16xf32>
      %swap3A = arith.constant 0 : index
      %swap3A_1316 = tpu.vector_load %arg8[%swap3A] {strides = array<i32>} : memref<16xi32, #tpu.memory_space<vmem>>, vector<16xi32>,
      tpu.vector_store %arg8[%swap3A], %select_n3A_1295 {strides = array<i32>} : memref<16xi32, #tpu.memory_space<vmem>>, vector<16xi32>,
      %div3A = arith.divf %select_n3A_1305, %select_n3A_1315 : vector<16xf32>
      %swap3A_1317 = arith.constant 0 : index
      %swap3A_1318 = tpu.vector_load %arg9[%swap3A_1317] {strides = array<i32>} : memref<16xf32, #tpu.memory_space<vmem>>, vector<16xf32>,
      tpu.vector_store %arg9[%swap3A_1317], %div3A {strides = array<i32>} : memref<16xf32, #tpu.memory_space<vmem>>, vector<16xf32>,
      %mul3A_1319 = arith.constant 8 : i32
      %mul3A_1320 = arith.muli %mul3A_1319, %arg1 : i32
      %dma_start3A_1321 = arith.constant 0 : i32
      %dma_start3A_1322 = tpu.memref_slice %arg8[%dma_start3A_1321] : memref<16xi32, #tpu.memory_space<vmem>> -> memref<8xi32, #tpu.memory_space<vmem>>
      %dma_start3A_1323 = tpu.memref_slice %arg4[%mul3A_1320] : memref<128xi32, #tpu.memory_space<hbm>> -> memref<8xi32, #tpu.memory_space<hbm>>
      %dma_start3A_1324 = tpu.memref_slice %arg4[%mul3A_1320] : memref<128xi32, #tpu.memory_space<hbm>> -> memref<8xi32, #tpu.memory_space<hbm>>
      %dma_start3A_1325 = arith.constant 0 : i32
      %dma_start3A_1326 = tpu.memref_slice %arg8[%dma_start3A_1325] : memref<16xi32, #tpu.memory_space<vmem>> -> memref<8xi32, #tpu.memory_space<vmem>>
      tpu.enqueue_dma source(%dma_start3A_1326 : memref<8xi32, #tpu.memory_space<vmem>>) target(%dma_start3A_1324 : memref<8xi32, #tpu.memory_space<hbm>>) target_semaphore(%arg14 : memref<!tpu.dma_semaphore, #tpu.memory_space<semaphore_mem>>)
      %mul3A_1327 = arith.constant 8 : i32
      %mul3A_1328 = arith.muli %mul3A_1327, %arg1 : i32
      %dma_start3A_1329 = arith.constant 0 : i32
      %dma_start3A_1330 = tpu.memref_slice %arg9[%dma_start3A_1329] : memref<16xf32, #tpu.memory_space<vmem>> -> memref<8xf32, #tpu.memory_space<vmem>>
      %dma_start3A_1331 = tpu.memref_slice %arg5[%mul3A_1328] : memref<128xf32, #tpu.memory_space<hbm>> -> memref<8xf32, #tpu.memory_space<hbm>>
      %dma_start3A_1332 = tpu.memref_slice %arg5[%mul3A_1328] : memref<128xf32, #tpu.memory_space<hbm>> -> memref<8xf32, #tpu.memory_space<hbm>>
      %dma_start3A_1333 = arith.constant 0 : i32
      %dma_start3A_1334 = tpu.memref_slice %arg9[%dma_start3A_1333] : memref<16xf32, #tpu.memory_space<vmem>> -> memref<8xf32, #tpu.memory_space<vmem>>
      tpu.enqueue_dma source(%dma_start3A_1334 : memref<8xf32, #tpu.memory_space<vmem>>) target(%dma_start3A_1332 : memref<8xf32, #tpu.memory_space<hbm>>) target_semaphore(%arg14 : memref<!tpu.dma_semaphore, #tpu.memory_space<semaphore_mem>>)
      %dma_wait3A_1335 = arith.constant 0 : i32
      %dma_wait3A_1336 = tpu.memref_slice %arg8[%dma_wait3A_1335] : memref<16xi32, #tpu.memory_space<vmem>> -> memref<8xi32, #tpu.memory_space<vmem>>
      %dma_wait3A_1337 = tpu.memref_slice %arg4[%mul3A_1320] : memref<128xi32, #tpu.memory_space<hbm>> -> memref<8xi32, #tpu.memory_space<hbm>>
      %dma_wait3A_1338 = tpu.memref_slice %arg4[%mul3A_1320] : memref<128xi32, #tpu.memory_space<hbm>> -> memref<8xi32, #tpu.memory_space<hbm>>
      %dma_wait3A_1339 = arith.constant 0 : i32
      %dma_wait3A_1340 = tpu.memref_slice %arg8[%dma_wait3A_1339] : memref<16xi32, #tpu.memory_space<vmem>> -> memref<8xi32, #tpu.memory_space<vmem>>
      tpu.wait_dma2 semaphore(%arg14 : memref<!tpu.dma_semaphore, #tpu.memory_space<semaphore_mem>>) src(%dma_wait3A_1340 : memref<8xi32, #tpu.memory_space<vmem>>) dst(%dma_wait3A_1338 : memref<8xi32, #tpu.memory_space<hbm>>)
      %dma_wait3A_1341 = arith.constant 0 : i32
      %dma_wait3A_1342 = tpu.memref_slice %arg9[%dma_wait3A_1341] : memref<16xf32, #tpu.memory_space<vmem>> -> memref<8xf32, #tpu.memory_space<vmem>>
      %dma_wait3A_1343 = tpu.memref_slice %arg5[%mul3A_1328] : memref<128xf32, #tpu.memory_space<hbm>> -> memref<8xf32, #tpu.memory_space<hbm>>
      %dma_wait3A_1344 = tpu.memref_slice %arg5[%mul3A_1328] : memref<128xf32, #tpu.memory_space<hbm>> -> memref<8xf32, #tpu.memory_space<hbm>>
      %dma_wait3A_1345 = arith.constant 0 : i32
      %dma_wait3A_1346 = tpu.memref_slice %arg9[%dma_wait3A_1345] : memref<16xf32, #tpu.memory_space<vmem>> -> memref<8xf32, #tpu.memory_space<vmem>>
      tpu.wait_dma2 semaphore(%arg14 : memref<!tpu.dma_semaphore, #tpu.memory_space<semaphore_mem>>) src(%dma_wait3A_1346 : memref<8xf32, #tpu.memory_space<vmem>>) dst(%dma_wait3A_1344 : memref<8xf32, #tpu.memory_space<hbm>>)
      %barrier3A = arith.constant 0 : index
      tpu.barrier barrier_id(%barrier3A)
      %eq3A_1347 = arith.constant 0 : i32
      %eq3A_1348 = arith.cmpi eq, %arg1, %eq3A_1347 : i32
      %convert_element_type3A_1349 = arith.extui %eq3A_1348 : i1 to i32
      %cond3A_1350 = arith.constant 0 : i32
      %cond3A_1351 = arith.cmpi ne, %convert_element_type3A_1349, %cond3A_1350 : i32
      scf.if %cond3A_1351 {
        "tpu.region"() ({
          %run_scoped3A = tpu.sem_alloc : memref<!tpu.dma_semaphore, #tpu.memory_space<semaphore_mem>>
          tpu.enqueue_dma source(%arg4 : memref<128xi32, #tpu.memory_space<hbm>>) target(%arg11 : memref<128xi32, #tpu.memory_space<vmem>>) target_semaphore(%run_scoped3A : memref<!tpu.dma_semaphore, #tpu.memory_space<semaphore_mem>>)
          tpu.wait_dma2 semaphore(%run_scoped3A : memref<!tpu.dma_semaphore, #tpu.memory_space<semaphore_mem>>) src(%arg4 : memref<128xi32, #tpu.memory_space<hbm>>) dst(%arg11 : memref<128xi32, #tpu.memory_space<vmem>>)
          tpu.yield
        }) : () -> ()
        %broadcast_in_dim3A_1352 = arith.constant 0 : i32
        %broadcast_in_dim3A_1353 = vector.broadcast %broadcast_in_dim3A_1352 : i32 to vector<16xi32>
        %swap3A_1354 = arith.constant 0 : index
        %swap3A_1355 = tpu.vector_load %arg12[%swap3A_1354] {strides = array<i32>} : memref<64xi32, #tpu.memory_space<vmem>>, vector<16xi32>,
        tpu.vector_store %arg12[%swap3A_1354], %broadcast_in_dim3A_1353 {strides = array<i32>} : memref<64xi32, #tpu.memory_space<vmem>>, vector<16xi32>,
        %broadcast_in_dim3A_1356 = arith.constant 0 : i32
        %broadcast_in_dim3A_1357 = vector.broadcast %broadcast_in_dim3A_1356 : i32 to vector<16xi32>
        %swap3A_1358 = arith.constant 16 : index
        %swap3A_1359 = tpu.vector_load %arg12[%swap3A_1358] {strides = array<i32>} : memref<64xi32, #tpu.memory_space<vmem>>, vector<16xi32>,
        tpu.vector_store %arg12[%swap3A_1358], %broadcast_in_dim3A_1357 {strides = array<i32>} : memref<64xi32, #tpu.memory_space<vmem>>, vector<16xi32>,
        %broadcast_in_dim3A_1360 = arith.constant 0 : i32
        %broadcast_in_dim3A_1361 = vector.broadcast %broadcast_in_dim3A_1360 : i32 to vector<16xi32>
        %swap3A_1362 = arith.constant 32 : index
        %swap3A_1363 = tpu.vector_load %arg12[%swap3A_1362] {strides = array<i32>} : memref<64xi32, #tpu.memory_space<vmem>>, vector<16xi32>,
        tpu.vector_store %arg12[%swap3A_1362], %broadcast_in_dim3A_1361 {strides = array<i32>} : memref<64xi32, #tpu.memory_space<vmem>>, vector<16xi32>,
        %broadcast_in_dim3A_1364 = arith.constant 0 : i32
        %broadcast_in_dim3A_1365 = vector.broadcast %broadcast_in_dim3A_1364 : i32 to vector<16xi32>
        %swap3A_1366 = arith.constant 48 : index
        %swap3A_1367 = tpu.vector_load %arg12[%swap3A_1366] {strides = array<i32>} : memref<64xi32, #tpu.memory_space<vmem>>, vector<16xi32>,
        tpu.vector_store %arg12[%swap3A_1366], %broadcast_in_dim3A_1365 {strides = array<i32>} : memref<64xi32, #tpu.memory_space<vmem>>, vector<16xi32>,
        %broadcast_in_dim3A_1368 = arith.constant 1 : i32
        %broadcast_in_dim3A_1369 = vector.broadcast %broadcast_in_dim3A_1368 : i32 to vector<16xi32>
        %get3A_1370 = arith.constant 0 : index
        %get3A_1371 = tpu.vector_load %arg11[%get3A_1370] {strides = array<i32>} : memref<128xi32, #tpu.memory_space<vmem>>, vector<16xi32>,
        tpu.vector_store_idx %arg12[%get3A_1371], %broadcast_in_dim3A_1369 : memref<64xi32, #tpu.memory_space<vmem>>[vector<16xi32>], vector<16xi32>,
        %get3A_1372 = arith.constant 16 : index
        %get3A_1373 = tpu.vector_load %arg11[%get3A_1372] {strides = array<i32>} : memref<128xi32, #tpu.memory_space<vmem>>, vector<16xi32>,
        tpu.vector_store_idx %arg12[%get3A_1373], %broadcast_in_dim3A_1369 : memref<64xi32, #tpu.memory_space<vmem>>[vector<16xi32>], vector<16xi32>,
        %get3A_1374 = arith.constant 32 : index
        %get3A_1375 = tpu.vector_load %arg11[%get3A_1374] {strides = array<i32>} : memref<128xi32, #tpu.memory_space<vmem>>, vector<16xi32>,
        tpu.vector_store_idx %arg12[%get3A_1375], %broadcast_in_dim3A_1369 : memref<64xi32, #tpu.memory_space<vmem>>[vector<16xi32>], vector<16xi32>,
        %get3A_1376 = arith.constant 48 : index
        %get3A_1377 = tpu.vector_load %arg11[%get3A_1376] {strides = array<i32>} : memref<128xi32, #tpu.memory_space<vmem>>, vector<16xi32>,
        tpu.vector_store_idx %arg12[%get3A_1377], %broadcast_in_dim3A_1369 : memref<64xi32, #tpu.memory_space<vmem>>[vector<16xi32>], vector<16xi32>,
        %get3A_1378 = arith.constant 64 : index
        %get3A_1379 = tpu.vector_load %arg11[%get3A_1378] {strides = array<i32>} : memref<128xi32, #tpu.memory_space<vmem>>, vector<16xi32>,
        tpu.vector_store_idx %arg12[%get3A_1379], %broadcast_in_dim3A_1369 : memref<64xi32, #tpu.memory_space<vmem>>[vector<16xi32>], vector<16xi32>,
        %get3A_1380 = arith.constant 80 : index
        %get3A_1381 = tpu.vector_load %arg11[%get3A_1380] {strides = array<i32>} : memref<128xi32, #tpu.memory_space<vmem>>, vector<16xi32>,
        tpu.vector_store_idx %arg12[%get3A_1381], %broadcast_in_dim3A_1369 : memref<64xi32, #tpu.memory_space<vmem>>[vector<16xi32>], vector<16xi32>,
        %get3A_1382 = arith.constant 96 : index
        %get3A_1383 = tpu.vector_load %arg11[%get3A_1382] {strides = array<i32>} : memref<128xi32, #tpu.memory_space<vmem>>, vector<16xi32>,
        tpu.vector_store_idx %arg12[%get3A_1383], %broadcast_in_dim3A_1369 : memref<64xi32, #tpu.memory_space<vmem>>[vector<16xi32>], vector<16xi32>,
        %get3A_1384 = arith.constant 112 : index
        %get3A_1385 = tpu.vector_load %arg11[%get3A_1384] {strides = array<i32>} : memref<128xi32, #tpu.memory_space<vmem>>, vector<16xi32>,
        tpu.vector_store_idx %arg12[%get3A_1385], %broadcast_in_dim3A_1369 : memref<64xi32, #tpu.memory_space<vmem>>[vector<16xi32>], vector<16xi32>,
        %broadcast_in_dim3A_1386 = arith.constant 0 : i32
        %broadcast_in_dim3A_1387 = vector.broadcast %broadcast_in_dim3A_1386 : i32 to vector<16xi32>
        %swap3A_1388 = arith.constant 0 : index
        %swap3A_1389 = tpu.vector_load %arg13[%swap3A_1388] {strides = array<i32>} : memref<80xi32, #tpu.memory_space<vmem>>, vector<16xi32>,
        tpu.vector_store %arg13[%swap3A_1388], %broadcast_in_dim3A_1387 {strides = array<i32>} : memref<80xi32, #tpu.memory_space<vmem>>, vector<16xi32>,
        %broadcast_in_dim3A_1390 = arith.constant 0 : i32
        %broadcast_in_dim3A_1391 = vector.broadcast %broadcast_in_dim3A_1390 : i32 to vector<16xi32>
        %swap3A_1392 = arith.constant 16 : index
        %swap3A_1393 = tpu.vector_load %arg13[%swap3A_1392] {strides = array<i32>} : memref<80xi32, #tpu.memory_space<vmem>>, vector<16xi32>,
        tpu.vector_store %arg13[%swap3A_1392], %broadcast_in_dim3A_1391 {strides = array<i32>} : memref<80xi32, #tpu.memory_space<vmem>>, vector<16xi32>,
        %broadcast_in_dim3A_1394 = arith.constant 0 : i32
        %broadcast_in_dim3A_1395 = vector.broadcast %broadcast_in_dim3A_1394 : i32 to vector<16xi32>
        %swap3A_1396 = arith.constant 32 : index
        %swap3A_1397 = tpu.vector_load %arg13[%swap3A_1396] {strides = array<i32>} : memref<80xi32, #tpu.memory_space<vmem>>, vector<16xi32>,
        tpu.vector_store %arg13[%swap3A_1396], %broadcast_in_dim3A_1395 {strides = array<i32>} : memref<80xi32, #tpu.memory_space<vmem>>, vector<16xi32>,
        %broadcast_in_dim3A_1398 = arith.constant 0 : i32
        %broadcast_in_dim3A_1399 = vector.broadcast %broadcast_in_dim3A_1398 : i32 to vector<16xi32>
        %swap3A_1400 = arith.constant 48 : index
        %swap3A_1401 = tpu.vector_load %arg13[%swap3A_1400] {strides = array<i32>} : memref<80xi32, #tpu.memory_space<vmem>>, vector<16xi32>,
        tpu.vector_store %arg13[%swap3A_1400], %broadcast_in_dim3A_1399 {strides = array<i32>} : memref<80xi32, #tpu.memory_space<vmem>>, vector<16xi32>,
        %broadcast_in_dim3A_1402 = arith.constant 0 : i32
        %broadcast_in_dim3A_1403 = vector.broadcast %broadcast_in_dim3A_1402 : i32 to vector<16xi32>
        %swap3A_1404 = arith.constant 64 : index
        %swap3A_1405 = tpu.vector_load %arg13[%swap3A_1404] {strides = array<i32>} : memref<80xi32, #tpu.memory_space<vmem>>, vector<16xi32>,
        tpu.vector_store %arg13[%swap3A_1404], %broadcast_in_dim3A_1403 {strides = array<i32>} : memref<80xi32, #tpu.memory_space<vmem>>, vector<16xi32>,
        %get3A_1406 = arith.constant 0 : index
        %get3A_1407 = tpu.vector_load %arg12[%get3A_1406] {strides = array<i32>} : memref<64xi32, #tpu.memory_space<vmem>>, vector<16xi32>,
        %broadcast_in_dim3A_1408 = arith.constant true
        %broadcast_in_dim3A_1409 = vector.broadcast %broadcast_in_dim3A_1408 : i1 to vector<16xi1>
        %masked_cumsum3A = tpu.scan <sum>, %get3A_1407 masked %broadcast_in_dim3A_1409 : vector<16xi32>, vector<16xi1> -> vector<16xi32>
        %sub3A_1410 = arith.subi %masked_cumsum3A, %get3A_1407 : vector<16xi32>
        %add3A_1411 = arith.constant 0 : i32
        %add3A_1412 = vector.broadcast %add3A_1411 : i32 to vector<16xi32>
        %add3A_1413 = arith.addi %sub3A_1410, %add3A_1412 : vector<16xi32>
        %add3A_1414 = arith.constant 0 : i32
        %add3A_1415 = vector.broadcast %add3A_1414 : i32 to vector<16xi32>
        %add3A_1416 = arith.addi %iota3A, %add3A_1415 : vector<16xi32>
        %gt3A = arith.constant 0 : i32
        %gt3A_1417 = vector.broadcast %gt3A : i32 to vector<16xi32>
        %gt3A_1418 = arith.cmpi sgt, %get3A_1407, %gt3A_1417 : vector<16xi32>
        tpu.vector_store_idx %arg13[%add3A_1413], %add3A_1416 masked %gt3A_1418 : memref<80xi32, #tpu.memory_space<vmem>>[vector<16xi32>], vector<16xi32>, vector<16xi1>
        %reduce_max3A_1419 = arith.constant true
        %reduce_max3A_1420 = vector.broadcast %reduce_max3A_1419 : i1 to vector<16xi1>
        %reduce_max3A_1421 = arith.constant -2147483648 : i32
        %reduce_max3A_1422 = vector.broadcast %reduce_max3A_1421 : i32 to vector<16xi32>
        %reduce_max3A_1423 = arith.xori %masked_cumsum3A, %reduce_max3A_1422 : vector<16xi32>
        %reduce_max3A_1424 = tpu.scan <max>, %reduce_max3A_1423 masked %reduce_max3A_1420 : vector<16xi32>, vector<16xi1> -> vector<16xi32>
        %reduce_max3A_1425 = arith.xori %reduce_max3A_1424, %reduce_max3A_1422 : vector<16xi32>
        %reduce_max3A_1426 = vector.extract %reduce_max3A_1425[15] : i32 from vector<16xi32>
        %add3A_1427 = arith.constant 0 : i32
        %add3A_1428 = arith.addi %add3A_1427, %reduce_max3A_1426 : i32
        %get3A_1429 = arith.constant 16 : index
        %get3A_1430 = tpu.vector_load %arg12[%get3A_1429] {strides = array<i32>} : memref<64xi32, #tpu.memory_space<vmem>>, vector<16xi32>,
        %broadcast_in_dim3A_1431 = arith.constant true
        %broadcast_in_dim3A_1432 = vector.broadcast %broadcast_in_dim3A_1431 : i1 to vector<16xi1>
        %masked_cumsum3A_1433 = tpu.scan <sum>, %get3A_1430 masked %broadcast_in_dim3A_1432 : vector<16xi32>, vector<16xi1> -> vector<16xi32>
        %sub3A_1434 = arith.subi %masked_cumsum3A_1433, %get3A_1430 : vector<16xi32>
        %add3A_1435 = vector.broadcast %add3A_1428 : i32 to vector<16xi32>
        %add3A_1436 = arith.addi %sub3A_1434, %add3A_1435 : vector<16xi32>
        %add3A_1437 = arith.constant 16 : i32
        %add3A_1438 = vector.broadcast %add3A_1437 : i32 to vector<16xi32>
        %add3A_1439 = arith.addi %iota3A, %add3A_1438 : vector<16xi32>
        %gt3A_1440 = arith.constant 0 : i32
        %gt3A_1441 = vector.broadcast %gt3A_1440 : i32 to vector<16xi32>
        %gt3A_1442 = arith.cmpi sgt, %get3A_1430, %gt3A_1441 : vector<16xi32>
        tpu.vector_store_idx %arg13[%add3A_1436], %add3A_1439 masked %gt3A_1442 : memref<80xi32, #tpu.memory_space<vmem>>[vector<16xi32>], vector<16xi32>, vector<16xi1>
        %reduce_max3A_1443 = arith.constant true
        %reduce_max3A_1444 = vector.broadcast %reduce_max3A_1443 : i1 to vector<16xi1>
        %reduce_max3A_1445 = arith.constant -2147483648 : i32
        %reduce_max3A_1446 = vector.broadcast %reduce_max3A_1445 : i32 to vector<16xi32>
        %reduce_max3A_1447 = arith.xori %masked_cumsum3A_1433, %reduce_max3A_1446 : vector<16xi32>
        %reduce_max3A_1448 = tpu.scan <max>, %reduce_max3A_1447 masked %reduce_max3A_1444 : vector<16xi32>, vector<16xi1> -> vector<16xi32>
        %reduce_max3A_1449 = arith.xori %reduce_max3A_1448, %reduce_max3A_1446 : vector<16xi32>
        %reduce_max3A_1450 = vector.extract %reduce_max3A_1449[15] : i32 from vector<16xi32>
        %add3A_1451 = arith.addi %add3A_1428, %reduce_max3A_1450 : i32
        %get3A_1452 = arith.constant 32 : index
        %get3A_1453 = tpu.vector_load %arg12[%get3A_1452] {strides = array<i32>} : memref<64xi32, #tpu.memory_space<vmem>>, vector<16xi32>,
        %broadcast_in_dim3A_1454 = arith.constant true
        %broadcast_in_dim3A_1455 = vector.broadcast %broadcast_in_dim3A_1454 : i1 to vector<16xi1>
        %masked_cumsum3A_1456 = tpu.scan <sum>, %get3A_1453 masked %broadcast_in_dim3A_1455 : vector<16xi32>, vector<16xi1> -> vector<16xi32>
        %sub3A_1457 = arith.subi %masked_cumsum3A_1456, %get3A_1453 : vector<16xi32>
        %add3A_1458 = vector.broadcast %add3A_1451 : i32 to vector<16xi32>
        %add3A_1459 = arith.addi %sub3A_1457, %add3A_1458 : vector<16xi32>
        %add3A_1460 = arith.constant 32 : i32
        %add3A_1461 = vector.broadcast %add3A_1460 : i32 to vector<16xi32>
        %add3A_1462 = arith.addi %iota3A, %add3A_1461 : vector<16xi32>
        %gt3A_1463 = arith.constant 0 : i32
        %gt3A_1464 = vector.broadcast %gt3A_1463 : i32 to vector<16xi32>
        %gt3A_1465 = arith.cmpi sgt, %get3A_1453, %gt3A_1464 : vector<16xi32>
        tpu.vector_store_idx %arg13[%add3A_1459], %add3A_1462 masked %gt3A_1465 : memref<80xi32, #tpu.memory_space<vmem>>[vector<16xi32>], vector<16xi32>, vector<16xi1>
        %reduce_max3A_1466 = arith.constant true
        %reduce_max3A_1467 = vector.broadcast %reduce_max3A_1466 : i1 to vector<16xi1>
        %reduce_max3A_1468 = arith.constant -2147483648 : i32
        %reduce_max3A_1469 = vector.broadcast %reduce_max3A_1468 : i32 to vector<16xi32>
        %reduce_max3A_1470 = arith.xori %masked_cumsum3A_1456, %reduce_max3A_1469 : vector<16xi32>
        %reduce_max3A_1471 = tpu.scan <max>, %reduce_max3A_1470 masked %reduce_max3A_1467 : vector<16xi32>, vector<16xi1> -> vector<16xi32>
        %reduce_max3A_1472 = arith.xori %reduce_max3A_1471, %reduce_max3A_1469 : vector<16xi32>
        %reduce_max3A_1473 = vector.extract %reduce_max3A_1472[15] : i32 from vector<16xi32>
        %add3A_1474 = arith.addi %add3A_1451, %reduce_max3A_1473 : i32
        %get3A_1475 = arith.constant 48 : index
        %get3A_1476 = tpu.vector_load %arg12[%get3A_1475] {strides = array<i32>} : memref<64xi32, #tpu.memory_space<vmem>>, vector<16xi32>,
        %broadcast_in_dim3A_1477 = arith.constant true
        %broadcast_in_dim3A_1478 = vector.broadcast %broadcast_in_dim3A_1477 : i1 to vector<16xi1>
        %masked_cumsum3A_1479 = tpu.scan <sum>, %get3A_1476 masked %broadcast_in_dim3A_1478 : vector<16xi32>, vector<16xi1> -> vector<16xi32>
        %sub3A_1480 = arith.subi %masked_cumsum3A_1479, %get3A_1476 : vector<16xi32>
        %add3A_1481 = vector.broadcast %add3A_1474 : i32 to vector<16xi32>
        %add3A_1482 = arith.addi %sub3A_1480, %add3A_1481 : vector<16xi32>
        %add3A_1483 = arith.constant 48 : i32
        %add3A_1484 = vector.broadcast %add3A_1483 : i32 to vector<16xi32>
        %add3A_1485 = arith.addi %iota3A, %add3A_1484 : vector<16xi32>
        %gt3A_1486 = arith.constant 0 : i32
        %gt3A_1487 = vector.broadcast %gt3A_1486 : i32 to vector<16xi32>
        %gt3A_1488 = arith.cmpi sgt, %get3A_1476, %gt3A_1487 : vector<16xi32>
        tpu.vector_store_idx %arg13[%add3A_1482], %add3A_1485 masked %gt3A_1488 : memref<80xi32, #tpu.memory_space<vmem>>[vector<16xi32>], vector<16xi32>, vector<16xi1>
        %reduce_max3A_1489 = arith.constant true
        %reduce_max3A_1490 = vector.broadcast %reduce_max3A_1489 : i1 to vector<16xi1>
        %reduce_max3A_1491 = arith.constant -2147483648 : i32
        %reduce_max3A_1492 = vector.broadcast %reduce_max3A_1491 : i32 to vector<16xi32>
        %reduce_max3A_1493 = arith.xori %masked_cumsum3A_1479, %reduce_max3A_1492 : vector<16xi32>
        %reduce_max3A_1494 = tpu.scan <max>, %reduce_max3A_1493 masked %reduce_max3A_1490 : vector<16xi32>, vector<16xi1> -> vector<16xi32>
        %reduce_max3A_1495 = arith.xori %reduce_max3A_1494, %reduce_max3A_1492 : vector<16xi32>
        %reduce_max3A_1496 = vector.extract %reduce_max3A_1495[15] : i32 from vector<16xi32>
        %add3A_1497 = arith.addi %add3A_1474, %reduce_max3A_1496 : i32
        %broadcast_in_dim3A_1498 = arith.constant 1 : i32
        %broadcast_in_dim3A_1499 = vector.broadcast %broadcast_in_dim3A_1498 : i32 to vector<16xi32>
        %mul3A_1500 = vector.broadcast %add3A_1497 : i32 to vector<16xi32>
        %mul3A_1501 = arith.muli %broadcast_in_dim3A_1499, %mul3A_1500 : vector<16xi32>
        %swap3A_1502 = arith.constant 64 : index
        %swap3A_1503 = tpu.vector_load %arg13[%swap3A_1502] {strides = array<i32>} : memref<80xi32, #tpu.memory_space<vmem>>, vector<16xi32>,
        tpu.vector_store %arg13[%swap3A_1502], %mul3A_1501 {strides = array<i32>} : memref<80xi32, #tpu.memory_space<vmem>>, vector<16xi32>,
        "tpu.region"() ({
          %run_scoped3A = tpu.sem_alloc : memref<!tpu.dma_semaphore, #tpu.memory_space<semaphore_mem>>
          tpu.enqueue_dma source(%arg13 : memref<80xi32, #tpu.memory_space<vmem>>) target(%arg6 : memref<80xi32, #tpu.memory_space<hbm>>) target_semaphore(%run_scoped3A : memref<!tpu.dma_semaphore, #tpu.memory_space<semaphore_mem>>)
          tpu.wait_dma2 semaphore(%run_scoped3A : memref<!tpu.dma_semaphore, #tpu.memory_space<semaphore_mem>>) src(%arg13 : memref<80xi32, #tpu.memory_space<vmem>>) dst(%arg6 : memref<80xi32, #tpu.memory_space<hbm>>)
          tpu.yield
        }) : () -> ()
      } else {
      }
    } else {
    }
    return
  }
}

module attributes {stable_mosaic.version = 14 : i64} {
  func.func @_ffn_kernel(%arg0: i32, %arg1: memref<80xi32, #tpu.memory_space<smem>>, %arg2: memref<64x2xi32, #tpu.memory_space<vmem>>, %arg3: memref<64x2xf32, #tpu.memory_space<vmem>>, %arg4: memref<64x1024xf32, #tpu.memory_space<vmem>>, %arg5: memref<1x2048x1024xf32, #tpu.memory_space<vmem>>, %arg6: memref<1x1024x1024xf32, #tpu.memory_space<vmem>>, %arg7: memref<64x1024xf32, #tpu.memory_space<vmem>>) attributes {dimension_semantics = [#tpu.dimension_semantics<arbitrary>], iteration_bounds = array<i64: 64>, scalar_prefetch = 1 : i64, scratch_operands = 0 : i64, tpu.core_type = #tpu.core_type<tc>, window_params = [{pipeline_mode = #tpu.pipeline_mode<synchronous>, transform_indices = @transform_0, window_bounds = array<i64: 64, 2>}, {pipeline_mode = #tpu.pipeline_mode<synchronous>, transform_indices = @transform_1, window_bounds = array<i64: 64, 2>}, {pipeline_mode = #tpu.pipeline_mode<synchronous>, transform_indices = @transform_2, window_bounds = array<i64: 64, 1024>}, {transform_indices = @transform_3, window_bounds = array<i64: 1, 2048, 1024>}, {transform_indices = @transform_4, window_bounds = array<i64: 1, 1024, 1024>}, {pipeline_mode = #tpu.pipeline_mode<synchronous>, transform_indices = @transform_5, window_bounds = array<i64: 64, 1024>}]} {
    %get3A = arith.constant 64 : index
    %get3A_0 = memref.load %arg1[%get3A] : memref<80xi32, #tpu.memory_space<smem>>
    %eq3A = arith.constant 0 : i32
    %eq3A_1 = arith.cmpi eq, %arg0, %eq3A : i32
    %convert_element_type3A = arith.extui %eq3A_1 : i1 to i32
    %cond3A = arith.constant 0 : i32
    %cond3A_2 = arith.cmpi ne, %convert_element_type3A, %cond3A : i32
    scf.if %cond3A_2 {
      %broadcast_in_dim3A = arith.constant 0.000000e+00 : f32
      %broadcast_in_dim3A_6 = vector.broadcast %broadcast_in_dim3A : f32 to vector<64x1024xf32>
      %swap3A = arith.constant 0 : index
      %swap3A_7 = arith.constant 0 : index
      %swap3A_8 = vector.load %arg7[%swap3A, %swap3A_7] : memref<64x1024xf32, #tpu.memory_space<vmem>>, vector<64x1024xf32>
      tpu.vector_store %arg7[%swap3A, %swap3A_7], %broadcast_in_dim3A_6 {strides = array<i32>} : memref<64x1024xf32, #tpu.memory_space<vmem>>, vector<64x1024xf32>,
    } else {
    }
    %lt3A = arith.cmpi slt, %arg0, %get3A_0 : i32
    %convert_element_type3A_3 = arith.extui %lt3A : i1 to i32
    %cond3A_4 = arith.constant 0 : i32
    %cond3A_5 = arith.cmpi ne, %convert_element_type3A_3, %cond3A_4 : i32
    scf.if %cond3A_5 {
      %sub3A = arith.constant 1 : i32
      %sub3A_6 = arith.subi %get3A_0, %sub3A : i32
      %max3A = arith.constant 0 : i32
      %max3A_7 = arith.maxsi %sub3A_6, %max3A : i32
      %min3A = arith.minsi %arg0, %max3A_7 : i32
      %get3A_8 = arith.index_cast %min3A : i32 to index
      %get3A_9 = memref.load %arg1[%get3A_8] : memref<80xi32, #tpu.memory_space<smem>>
      %get3A_10 = arith.constant 0 : index
      %get3A_11 = arith.constant 0 : index
      %get3A_12 = vector.load %arg4[%get3A_10, %get3A_11] : memref<64x1024xf32, #tpu.memory_space<vmem>>, vector<64x1024xf32>
      %get3A_13 = arith.constant 0 : index
      %get3A_14 = arith.constant 0 : index
      %get3A_15 = arith.constant 0 : index
      %get3A_16 = vector.load %arg5[%get3A_13, %get3A_14, %get3A_15] : memref<1x2048x1024xf32, #tpu.memory_space<vmem>>, vector<1x2048x1024xf32>
      %get3A_17 = vector.shape_cast %get3A_16 : vector<1x2048x1024xf32> to vector<2048x1024xf32>
      %dot_general3A = arith.constant dense<0.000000e+00> : vector<64x2048xf32>
      %dot_general3A_18 = tpu.matmul %get3A_12, %get3A_17, %dot_general3A {dimension_numbers = #tpu.dot_dimension_numbers<[1], [1], [0], [0], [0, 0, 1, 0], [], []>, transpose_lhs_hint = false} : vector<64x1024xf32>, vector<2048x1024xf32>, vector<64x2048xf32> -> vector<64x2048xf32>
      %slice3A = vector.extract_strided_slice %dot_general3A_18 {offsets = [0, 0], sizes = [64, 1024], strides = [1, 1]} : vector<64x2048xf32> to vector<64x1024xf32>
      %slice3A_19 = vector.extract_strided_slice %dot_general3A_18 {offsets = [0, 1024], sizes = [64, 1024], strides = [1, 1]} : vector<64x2048xf32> to vector<64x1024xf32>
      %logistic3A = arith.negf %slice3A : vector<64x1024xf32>
      %logistic3A_20 = math.exp %logistic3A : vector<64x1024xf32>
      %logistic3A_21 = arith.constant 1.000000e+00 : f32
      %logistic3A_22 = vector.broadcast %logistic3A_21 : f32 to vector<64x1024xf32>
      %logistic3A_23 = arith.addf %logistic3A_22, %logistic3A_20 : vector<64x1024xf32>
      %logistic3A_24 = arith.divf %logistic3A_22, %logistic3A_23 : vector<64x1024xf32>
      %mul3A = arith.mulf %slice3A, %logistic3A_24 : vector<64x1024xf32>
      %mul3A_25 = arith.mulf %mul3A, %slice3A_19 : vector<64x1024xf32>
      %get3A_26 = arith.constant 0 : index
      %get3A_27 = arith.constant 0 : index
      %get3A_28 = arith.constant 0 : index
      %get3A_29 = vector.load %arg6[%get3A_26, %get3A_27, %get3A_28] : memref<1x1024x1024xf32, #tpu.memory_space<vmem>>, vector<1x1024x1024xf32>
      %get3A_30 = vector.shape_cast %get3A_29 : vector<1x1024x1024xf32> to vector<1024x1024xf32>
      %dot_general3A_31 = arith.constant dense<0.000000e+00> : vector<64x1024xf32>
      %dot_general3A_32 = tpu.matmul %mul3A_25, %get3A_30, %dot_general3A_31 {dimension_numbers = #tpu.dot_dimension_numbers<[1], [1], [0], [0], [0, 0, 1, 0], [], []>, transpose_lhs_hint = false} : vector<64x1024xf32>, vector<1024x1024xf32>, vector<64x1024xf32> -> vector<64x1024xf32>
      %get3A_33 = arith.constant 0 : index
      %get3A_34 = arith.constant 0 : index
      %get3A_35 = vector.load %arg2[%get3A_33, %get3A_34] : memref<64x2xi32, #tpu.memory_space<vmem>>, vector<64x1xi32>
      %eq3A_36 = vector.broadcast %get3A_9 : i32 to vector<64x1xi32>
      %eq3A_37 = arith.cmpi eq, %get3A_35, %eq3A_36 : vector<64x1xi32>
      %get3A_38 = arith.constant 0 : index
      %get3A_39 = arith.constant 0 : index
      %get3A_40 = vector.load %arg3[%get3A_38, %get3A_39] : memref<64x2xf32, #tpu.memory_space<vmem>>, vector<64x1xf32>
      %jit3A = arith.constant 0.000000e+00 : f32
      %broadcast_in_dim3A = vector.broadcast %jit3A : f32 to vector<64x1xf32>
      %select_n3A = arith.select %eq3A_37, %get3A_40, %broadcast_in_dim3A : vector<64x1xi1>, vector<64x1xf32>
      %get3A_41 = arith.constant 0 : index
      %get3A_42 = arith.constant 1 : index
      %get3A_43 = vector.load %arg2[%get3A_41, %get3A_42] : memref<64x2xi32, #tpu.memory_space<vmem>>, vector<64x1xi32>
      %eq3A_44 = vector.broadcast %get3A_9 : i32 to vector<64x1xi32>
      %eq3A_45 = arith.cmpi eq, %get3A_43, %eq3A_44 : vector<64x1xi32>
      %get3A_46 = arith.constant 0 : index
      %get3A_47 = arith.constant 1 : index
      %get3A_48 = vector.load %arg3[%get3A_46, %get3A_47] : memref<64x2xf32, #tpu.memory_space<vmem>>, vector<64x1xf32>
      %jit3A_49 = arith.constant 0.000000e+00 : f32
      %broadcast_in_dim3A_50 = vector.broadcast %jit3A_49 : f32 to vector<64x1xf32>
      %select_n3A_51 = arith.select %eq3A_45, %get3A_48, %broadcast_in_dim3A_50 : vector<64x1xi1>, vector<64x1xf32>
      %add3A = arith.addf %select_n3A, %select_n3A_51 : vector<64x1xf32>
      %get3A_52 = arith.constant 0 : index
      %get3A_53 = arith.constant 0 : index
      %get3A_54 = vector.load %arg7[%get3A_52, %get3A_53] : memref<64x1024xf32, #tpu.memory_space<vmem>>, vector<64x1024xf32>
      %mul3A_55 = vector.broadcast %add3A : vector<64x1xf32> to vector<64x1024xf32>
      %mul3A_56 = arith.mulf %mul3A_55, %dot_general3A_32 : vector<64x1024xf32>
      %add3A_57 = arith.addf %get3A_54, %mul3A_56 : vector<64x1024xf32>
      %swap3A = arith.constant 0 : index
      %swap3A_58 = arith.constant 0 : index
      %swap3A_59 = vector.load %arg7[%swap3A, %swap3A_58] : memref<64x1024xf32, #tpu.memory_space<vmem>>, vector<64x1024xf32>
      tpu.vector_store %arg7[%swap3A, %swap3A_58], %add3A_57 {strides = array<i32>} : memref<64x1024xf32, #tpu.memory_space<vmem>>, vector<64x1024xf32>,
    } else {
    }
    return
  }
  func.func @transform_0(%arg0: i32, %arg1: memref<80xi32, #tpu.memory_space<smem>>) -> (i32, i32) {
    %c0_i32 = arith.constant 0 : i32
    %c0_i32_0 = arith.constant 0 : i32
    %c0_i32_1 = arith.constant 0 : i32
    return %c0_i32, %c0_i32_0 : i32, i32
  }
  func.func @transform_1(%arg0: i32, %arg1: memref<80xi32, #tpu.memory_space<smem>>) -> (i32, i32) {
    %c0_i32 = arith.constant 0 : i32
    %c0_i32_0 = arith.constant 0 : i32
    %c0_i32_1 = arith.constant 0 : i32
    return %c0_i32, %c0_i32_0 : i32, i32
  }
  func.func @transform_2(%arg0: i32, %arg1: memref<80xi32, #tpu.memory_space<smem>>) -> (i32, i32) {
    %c0_i32 = arith.constant 0 : i32
    %c0_i32_0 = arith.constant 0 : i32
    %c0_i32_1 = arith.constant 0 : i32
    return %c0_i32, %c0_i32_0 : i32, i32
  }
  func.func @transform_3(%arg0: i32, %arg1: memref<80xi32, #tpu.memory_space<smem>>) -> (i32, i32, i32) {
    %get3A = arith.constant 64 : index
    %get3A_0 = memref.load %arg1[%get3A] : memref<80xi32, #tpu.memory_space<smem>>
    %sub3A = arith.constant 1 : i32
    %sub3A_1 = arith.subi %get3A_0, %sub3A : i32
    %max3A = arith.constant 0 : i32
    %max3A_2 = arith.maxsi %sub3A_1, %max3A : i32
    %min3A = arith.minsi %arg0, %max3A_2 : i32
    %get3A_3 = arith.index_cast %min3A : i32 to index
    %get3A_4 = memref.load %arg1[%get3A_3] : memref<80xi32, #tpu.memory_space<smem>>
    %c0_i32 = arith.constant 0 : i32
    %c0_i32_5 = arith.constant 0 : i32
    %c0_i32_6 = arith.constant 0 : i32
    return %get3A_4, %c0_i32, %c0_i32_5 : i32, i32, i32
  }
  func.func @transform_4(%arg0: i32, %arg1: memref<80xi32, #tpu.memory_space<smem>>) -> (i32, i32, i32) {
    %get3A = arith.constant 64 : index
    %get3A_0 = memref.load %arg1[%get3A] : memref<80xi32, #tpu.memory_space<smem>>
    %sub3A = arith.constant 1 : i32
    %sub3A_1 = arith.subi %get3A_0, %sub3A : i32
    %max3A = arith.constant 0 : i32
    %max3A_2 = arith.maxsi %sub3A_1, %max3A : i32
    %min3A = arith.minsi %arg0, %max3A_2 : i32
    %get3A_3 = arith.index_cast %min3A : i32 to index
    %get3A_4 = memref.load %arg1[%get3A_3] : memref<80xi32, #tpu.memory_space<smem>>
    %c0_i32 = arith.constant 0 : i32
    %c0_i32_5 = arith.constant 0 : i32
    %c0_i32_6 = arith.constant 0 : i32
    return %get3A_4, %c0_i32, %c0_i32_5 : i32, i32, i32
  }
  func.func @transform_5(%arg0: i32, %arg1: memref<80xi32, #tpu.memory_space<smem>>) -> (i32, i32) {
    %c0_i32 = arith.constant 0 : i32
    %c0_i32_0 = arith.constant 0 : i32
    %c0_i32_1 = arith.constant 0 : i32
    return %c0_i32, %c0_i32_0 : i32, i32
  }
}

</mosaic_0001>

<sc_bundles>
// kernel: kernel.4.cloned.1.call-start
scs
__scs_entry_jumppad:
0x0: {  	(pc) =	sbr.rel $0x88, $3  }
0x1: {  	(tag) =	ssettag $0x0;
	lr =	simm.s32 $0x1  }
0x2: {  	[smem:$0x3F9B] =	sst lr;
	_ =	strace $0xD0000000  }
0x3: {  	_ = 	snop  }
0x4: {  	_ = 	snop  }
0x5: {  	_ = 	snop  }
0x6: {  	_ = 	snop  }
0x7: {  	_ = 	snop  }
__scs_overlays_trampoline_lowered:
0x8: {  	[smem:$0x3FAA] =	sst s0  }
0x9: {  	[smem:$0x3FAB] =	sst s1  }
0xa: {  	[smem:$0x3FAC] =	sst s2  }
0xb: {  	[smem:$0x3FAD] =	sst s3  }
0xc: {  	[smem:$0x3FAE] =	sst s4  }
0xd: {  	[smem:$0x3FAF] =	sst s5  }
0xe: {  	[smem:$0x3FB0] =	sst s6  }
0xf: {  	[smem:$0x3FB1] =	sst s7  }
0x10: {  	[smem:$0x3FB2] =	sst s8  }
0x11: {  	[smem:$0x3FB3] =	sst s9;
	s0 =	simm.s32 @!p0 $0x0  }
0x12: {  	s1 =	sld [smem:$0x3F99];
	s0 =	simm.s32 @p0 $0x1  }
0x13: {  	[smem:$0x3FB4] =	sst s0;
	s0 =	simm.s32 @!p1 $0x0  }
0x14: {  	s2 =	sld [smem:$0x3F98];
	s0 =	simm.s32 @p1 $0x1  }
0x15: {  	[smem:$0x3FB5] =	sst s0;
	s0 =	simm.s32 @!p2 $0x0  }
0x16: {  	s3 =	sld [smem:$0x3FDB];
	s0 =	simm.s32 @p2 $0x1  }
0x17: {  	s4 =	simm.s32 $0x1BF5;
	[smem:$0x3FB7] =	sst s0  }
0x18: {  	s0 =	sld [smem:$0x3F9A];
	_ =	swait.ge [sflag:s4], $0x0  }
0x19: {  	s7 =	sld [smem:$0x3F9B]  }
0x1a: {  	s8 =	sadd.s32 $0xFFFFE003, lr  }
0x1b: {  	s9 =	sadd.s32 $0xFFFFFEF7, lr;
	s5 =	simm.s32 $0xFFFFFFFF;
	p2 =	slt.u32 s8, $0xFFFFF086  }
0x1c: {  	p1 =	slt.u32 s9, $0xF7A;
	s5 =	simm.s32 @!p2 $0x0  }
0x1d: {  	s5 =	simm.s32 @p1 $0x1;
	p0 =	seq.s32 s7, s2  }
0x1e: {  	s7 =	smul.u32 @!p0 $0xF7A, s2;
	p2 =	seq.s32 @!p0 s5, $0x0  }
0x1f: {  	s9 =	smul.u32 $0xF7A, s1;
	s8 =	simm.s32 @!p0 $0x1BF5;
	p2 =	por !p2, p0  }
0x20: {  	[sflag:s8] =	ssyncset.s32 @!p0 $0xFFFFF086;
	s6 =	sadd.s32 @!p0 s3, s7;
	s7 =	simm.s32 @!p0 $0x108  }
0x21: {  	s3 =	sadd.s32 s3, s9;
	s6 =	sadd.s32 @!p0 $0x88, s6;
	s7 =	simm.s32 @p2 $0x1082  }
0x22: {  	[simem:s7], [sflag:s8] =	dma.local @!p0 [hbm:s6], $0xF7A  }
0x23: {  	s9 =	sor.u32 $0xD0000000, s2;
	s6 =	simm.s32 $0x108;
	_ =	swait.ge @!p0 [sflag:s8], $0x0  }
0x24: {  	s3 =	sadd.s32 $0x88, s3;
	s6 =	simm.s32 @!p1 $0x1082;
	[sflag:s4] =	ssyncset.s32 $0xFFFFF086  }
0x25: {  	[simem:s6], [sflag:s4] =	dma.local [hbm:s3], $0xF7A  }
0x26: {  	[smem:$0x3F9B] =	sst s1;
	(tag) =	ssettag s2;
	_ =	strace s9  }
0x27: {  	s1 =	sld [smem:$0x3FAB]  }
0x28: {  	s2 =	sld [smem:$0x3FAC]  }
0x29: {  	s4 =	sld [smem:$0x3FAE]  }
0x2a: {  	p0 =	seq.s32 s5, $0x0;
	s5 =	sld [smem:$0x3FAF]  }
0x2b: {  	s6 =	sld [smem:$0x3FB0]  }
0x2c: {  	s7 =	sld [smem:$0x3FB1]  }
0x2d: {  	s3 =	simm.s32 $0x108;
	s8 =	sld [smem:$0x3FB2]  }
0x2e: {  	s3 =	simm.s32 @!p0 $0x1082;
	s9 =	sld [smem:$0x3FB3]  }
0x2f: {  	lr =	sadd.s32 s0, s3;
	s0 =	sld [smem:$0x3FAA]  }
0x30: {  	s3 =	sld [smem:$0x3FAD]  }
0x31: {  	[smem:$0x3FB6] =	sst s10  }
0x32: {  	s10 =	sld [smem:$0x3FB4];
	_ =	sdelay $0x3  }
0x33: {  	p0 =	seq.s32 s10, $0x1;
	s10 =	sld [smem:$0x3FB6];
	_ =	sdelay $0x3  }
0x34: {  	[smem:$0x3FB6] =	sst s10  }
0x35: {  	s10 =	sld [smem:$0x3FB5];
	_ =	sdelay $0x3  }
0x36: {  	p1 =	seq.s32 s10, $0x1;
	s10 =	sld [smem:$0x3FB6];
	_ =	sdelay $0x3  }
0x37: {  	[smem:$0x3FB6] =	sst s10  }
0x38: {  	s10 =	sld [smem:$0x3FB7]  }
0x39: {  	_ = 	snop;
	(pc) =	sbr.ind lr, $3  }
0x3a: {  	_ = 	snop  }
0x3b: {  	_ = 	snop  }
0x3c: {  	p2 =	seq.s32 s10, $0x1;
	s10 =	sld [smem:$0x3FB6]  }
0x3d: {  	_ =	shalt  }
0x3e: {  	_ =	shalt  }
0x3f: {  	_ =	shalt  }
0x40: {  	_ =	shalt  }
0x41: {  	_ =	shalt  }
0x42: {  	_ =	shalt  }
0x43: {  	_ =	shalt  }
0x44: {  	_ =	shalt  }
0x45: {  	_ =	shalt  }
0x46: {  	_ =	shalt  }
0x47: {  	_ =	shalt  }
0x48: {  	_ =	shalt  }
0x49: {  	_ =	shalt  }
0x4a: {  	_ =	shalt  }
0x4b: {  	_ =	shalt  }
0x4c: {  	_ =	shalt  }
0x4d: {  	_ =	shalt  }
0x4e: {  	_ =	shalt  }
0x4f: {  	_ =	shalt  }
0x50: {  	_ =	shalt  }
0x51: {  	_ =	shalt  }
0x52: {  	_ =	shalt  }
0x53: {  	_ =	shalt  }
0x54: {  	_ =	shalt  }
0x55: {  	_ =	shalt  }
0x56: {  	_ =	shalt  }
0x57: {  	_ =	shalt  }
0x58: {  	_ =	shalt  }
0x59: {  	_ =	shalt  }
0x5a: {  	_ =	shalt  }
0x5b: {  	_ =	shalt  }
0x5c: {  	_ =	shalt  }
0x5d: {  	_ =	shalt  }
0x5e: {  	_ =	shalt  }
0x5f: {  	_ =	shalt  }
0x60: {  	_ =	shalt  }
0x61: {  	_ =	shalt  }
0x62: {  	_ =	shalt  }
0x63: {  	_ =	shalt  }
0x64: {  	_ =	shalt  }
0x65: {  	_ =	shalt  }
0x66: {  	_ =	shalt  }
0x67: {  	_ =	shalt  }
0x68: {  	_ =	shalt  }
0x69: {  	_ =	shalt  }
0x6a: {  	_ =	shalt  }
0x6b: {  	_ =	shalt  }
0x6c: {  	_ =	shalt  }
0x6d: {  	_ =	shalt  }
0x6e: {  	_ =	shalt  }
0x6f: {  	_ =	shalt  }
0x70: {  	_ =	shalt  }
0x71: {  	_ =	shalt  }
0x72: {  	_ =	shalt  }
0x73: {  	_ =	shalt  }
0x74: {  	_ =	shalt  }
0x75: {  	_ =	shalt  }
0x76: {  	_ =	shalt  }
0x77: {  	_ =	shalt  }
0x78: {  	_ =	shalt  }
0x79: {  	_ =	shalt  }
0x7a: {  	_ =	shalt  }
0x7b: {  	_ =	shalt  }
0x7c: {  	_ =	shalt  }
0x7d: {  	_ =	shalt  }
0x7e: {  	_ =	shalt  }
0x7f: {  	_ =	shalt  }
0x80: {  	_ =	shalt  }
0x81: {  	_ =	shalt  }
0x82: {  	_ =	shalt  }
0x83: {  	_ =	shalt  }
0x84: {  	_ =	shalt  }
0x85: {  	_ =	shalt  }
0x86: {  	_ =	shalt  }
0x87: {  	_ =	shalt  }
.Lfunc_end0:
.L_simem_size_0:
called_computation_lowered:
.L_overlay_start_0:
0x88: {  	s0 =	sld [smem:$0x3FD9]  }
0x89: {  	s1 =	sld [smem:$0x3FFE];
	_ =	sdelay $0x3  }
0x8a: {  	s0 =	sadd.s32 s1, s0  }
0x8b: {  	[smem:$0x3FC2] =	sst s0  }
0x8c: {  	_ = 	snop  }
0x8d: {  	s0 =	sld [smem:$0x3FC8]  }
0x8e: {  	s16 =	sld [smem:$0x3FD0];
	(tm) =	ssettm $0x1  }
0x8f: {  	s2 =	sld [smem:$0x3FFB];
	_ =	sdelay $0x3  }
0x90: {  	_ =	strace s2  }
0x91: {  	s2 =	sld [smem:$0x3FFC];
	_ =	sdelay $0x3  }
0x92: {  	_ =	strace s2  }
0x93: {  	s2 =	sld [smem:$0x3FFD];
	_ =	sdelay $0x3  }
0x94: {  	_ =	strace s2  }
0x95: {  	_ =	strace $0x8FFFFFFF  }
0x96: {  	s17 =	sld [smem:$0x3FDB];
	_ =	sdelay $0x1  }
0x97: {  	s3 =	simm.s32 $_scs_section_size  }
0x98: {  	s4 =	simm.s32 $_size__tile_overlayer_lowered;
	s5 =	simm.s32 $_tile_overlayer_lowered  }
0x99: {  	s20 =	simm.s32 $0x1BFF;
	s19 =	sshll.u32 s5, $0x1;
	s2 =	sadd.s32 s3, s17  }
0x9a: {  	s6 =	simm.s32 $0x0;
	s18 =	sshll.u32 s4, $0x1;
	s4 =	sadd.s32 s19, s2  }
0x9b: {  	[timem:s6], [sflag:s20] =	dma.local [hbm:s4], s18  }
0x9c: {  	_ =	swait.ge [sflag:s20], s18  }
0x9d: {  	s3 =	ssub.s32 $0x0, s18;
	[sflag:s20] =	ssyncset.done $0x0  }
0x9e: {  	[sflag:s20] =	ssyncadd.s32 s3;
	_ =	sdelay $0x1  }
0x9f: {  	s21 =	simm.s32 $0x1B8B  }
0xa0: {  	_ =	swait.ge [sflag:s21], $0x1  }
0xa1: {  	[sflag:s21] =	ssyncset.done $0x0  }
0xa2: {  	s23 =	simm.s32 $0x1B8E;
	s22 =	sld [smem:$0x3FFE];
	[sflag:s21] =	ssyncadd.s32 $0xFFFFFFFF  }
0xa3: {  	s24 =	simm.s32 $execute0_lowered;
	[smem:$0x3FD2] =	sst s23  }
0xa4: {  	s4 =	sshll.u32 s24, $0x1;
	_ =	strace $0x80000046;
	[dreg:$0x1] =	wrdreg $0xFFFFFFFF  }
0xa5: {  	s25 =	simm.s32 $_size_execute0_lowered;
	s2 =	sadd.s32 s2, s4;
	[dreg:$0x0] =	wrdreg $0x0  }
0xa6: {  	s4 =	sshll.u32 s25, $0x1;
	[dreg:$0x2] =	wrdreg s2  }
0xa7: {  	[dreg:$0x3] =	wrdreg s4  }
0xa8: {  	[dreg:$0x4] =	wrdreg $0xC0  }
0xa9: {  	_ =	task [dreg:s6], $0x5FFFF  }
0xaa: {  	[dreg:$0x1] =	wrdreg $0xFFFFFFFF  }
0xab: {  	[dreg:$0x0] =	wrdreg $0x60  }
0xac: {  	[dreg:$0x2] =	wrdreg s0  }
0xad: {  	[dreg:$0x3] =	wrdreg s16  }
0xae: {  	[dreg:$0x4] =	wrdreg s22  }
0xaf: {  	[dreg:$0x5] =	wrdreg $0x9  }
0xb0: {  	_ =	task.clear_ibuf [dreg:s6], $0x6FFFF;
	_ =	strace $0x90000046  }
0xb1: {  	s26 =	simm.s32 $0x9;
	_ =	strace $0x80000048  }
0xb2: {  	_ =	swait.ge [sflag:s26], $0x1  }
0xb3: {  	[sflag:s26] =	ssyncadd.s32 $0xFFFFFFFF  }
0xb4: {  	_ =	strace $0x90000048  }
0xb5: {  	_ =	sfence  }
0xb6: {  	s28 =	sld [smem:$0x0];
	_ =	sdelay $0x1  }
0xb7: {  	s29 =	srdreg.scid  }
0xb8: {  	s30 =	sshll.u32 s29, $0xD;
	s31 =	sshrl.u32 s29, $0x2  }
0xb9: {  	s1 =	sand.u32 $0x1, s29;
	s2 =	sand.u32 $0x4000, s30;
	s0 =	sadd.s32 s31, s28  }
0xba: {  	s1 =	sor.u32 s2, s1;
	s0 =	sshll.u32 s0, $0x11  }
0xbb: {  	s0 =	sor.u32 s0, s1  }
0xbc: {  	s0 =	sadd.s32 $0x8F2B, s0  }
0xbd: {  	[sflag:s0] =	ssyncadd.remote.s32 $0x1  }
0xbe: {  	_ =	sfence.sel $0xFFFF  }
0xbf: {  	[dreg:$0x0] =	wrdreg $0xFFFFFFFF;
	(pc) =	sbr.abs _section_cstart, $3  }
0xc0: {  	[dreg:$0x1] =	wrdreg $0xFFFFFFFF  }
0xc1: {  	_ =	task.clear_ibuf [dreg:s6], $0x2FFFF;
	_ =	strace $0x9FFFFFFF  }
0xc2: {  	(tm) =	ssettm $0x7FFFFFFF  }
0xc3: {  	_ =	shalt  }
tec
execute0_lowered:
.L_overlay_start_1:
0x0: {  	(tag) =	ssettag $0x1  }
0x1: {  	s0 =	rddreg [dreg:$0x0]  }
0x2: {  	s1 =	rddreg [dreg:$0x1];
	s4 =	simm.s32 $0x0  }
0x3: {  	s2 =	stileid.u32;
	[smem:$0x7FF] =	sst s4  }
0x4: {  	s3 =	simm.s32 $0x300;
	s2 =	sshll.u32 s2, $0x6;
	_ =	strace $0x80000047  }
0x5: {  	[tilespmem:s3], [sflag:$0x1] =	stream.linear.gather [hbm4b:s1+s4], $0x80, $0x38;
	[tilespmem:$0x500] =	vst v63  }
0x6: {  	s18 =	simm.s32 $0x1;
	s0 =	sadd.s32 s0, s2  }
0x7: {  	[tilespmem:s4], [sflag:$0x1] =	stream.linear.gather [hbm4b:s0+s4], $0x200, $0x38;
	[tilespmem:$0x500] =	vst v63  }
0x8: {  	_ =	swait.ge [sflag:s18], $0x80  }
0x9: {  	[sflag:s18] =	ssyncset.done $0x0  }
0xa: {  	[sflag:s18] =	ssyncadd.s32 $0xFFFFFF80  }
0xb: {  	_ =	swait.ge [sflag:s18], $0x200  }
0xc: {  	[sflag:s18] =	ssyncset.done $0x0  }
0xd: {  	[sflag:s18] =	ssyncadd.s32 $0xFFFFFE00  }
0xe: {  	v0 =	vld [tilespmem:$0x300];
	_ =	sdelay $0x3  }
0xf: {  	vm0 =	vmmov $0x1;
	v1 =	vld [tilespmem:$0x0]  }
0x10: {  	vm6 =	vcmask $0x308;
	v12 =	vld [tilespmem:$0x10];
	v2 =	vnsel vm0, $0x0, v0  }
0x11: {  	v13 =	vld [tilespmem:$0x20];
	v0 =	vsel vm6, $0x0, v0;
	v2 =	vxor.u32 $0x80000000, v2  }
0x12: {  	v14 =	vld [tilespmem:$0x30];
	v0 =	vxor.u32 $0x80000000, v0;
	(xrf0) =	vmax.scan.msk.u32 $0xffff, v2  }
0x13: {  	(xrf0) =	vmax.scan.msk.u32 $0xffff, v0  }
0x14: {  	(xrf0) =	vmax.scan.msk.f32 $0xffff, v1  }
0x15: {  	(xrf0) =	vmax.scan.msk.f32 $0xffff, v12  }
0x16: {  	(xrf0) =	vmax.scan.msk.f32 $0xffff, v13  }
0x17: {  	(xrf0) =	vmax.scan.msk.f32 $0xffff, v14  }
0x18: {  	v0, _, _ =	vpop (xrf0)  }
0x19: {  	v2, _, _ =	vpop (xrf0);
	(v2sf) =	vpush v0, $0xF  }
0x1a: {  	(v2sf) =	vpush v2, $0xF;
	v0, _, _ =	vpop (xrf0)  }
0x1b: {  	(v2sf) =	vpush v0, $0xF;
	v0, _, _ =	vpop (xrf0)  }
0x1c: {  	(v2sf) =	vpush v0, $0xF;
	v0, _, _ =	vpop (xrf0)  }
0x1d: {  	(v2sf) =	vpush v0, $0xF;
	v0, _, _ =	vpop (xrf0)  }
0x1e: {  	(v2sf) =	vpush v0, $0xF;
	_ =	sdelay $0x9  }
0x1f: {  	s9 =	spop (v2sf)  }
0x20: {  	s10 =	spop (v2sf)  }
0x21: {  	s11 =	spop (v2sf)  }
0x22: {  	s0 =	smax.f32 s11, $-3.000000010e+38;
	s12 =	spop (v2sf)  }
0x23: {  	s0 =	smax.f32 s0, s12;
	s13 =	spop (v2sf)  }
0x24: {  	s0 =	smax.f32 s0, s13;
	s14 =	spop (v2sf)  }
0x25: {  	s0 =	smax.f32 s0, s14  }
0x26: {  	v0 =	vmov s0  }
0x27: {  	v2 =	vsub.f32 v1, v0  }
0x28: {  	v3 =	vsub.f32 v12, v0  }
0x29: {  	v4 =	vsub.f32 v13, v0;
	v2 =	vmul.f32 $1.442695020e+00, v2  }
0x2a: {  	v0 =	vsub.f32 v14, v0;
	v3 =	vmul.f32 $1.442695020e+00, v3  }
0x2b: {  	(erf) = vpow2.f32 v2;
	v2 =	vmul.f32 $1.442695020e+00, v4  }
0x2c: {  	v0 =	vmul.f32 $1.442695020e+00, v0;
	(erf) = vpow2.f32 v3  }
0x2d: {  	(erf) = vpow2.f32 v2  }
0x2e: {  	(erf) = vpow2.f32 v0;
	_ =	sdelay $0x5  }
0x2f: {  	v11 =	vpop (erf)  }
0x30: {  	v10 =	vpop (erf);
	(xrf2) =	vadd.scan.msk.f32 $0xffff, v11  }
0x31: {  	v9 =	vpop (erf);
	(xrf2) =	vadd.scan.msk.f32 $0xffff, v10  }
0x32: {  	v8 =	vpop (erf);
	(xrf2) =	vadd.scan.msk.f32 $0xffff, v9  }
0x33: {  	(xrf2) =	vadd.scan.msk.f32 $0xffff, v8  }
0x34: {  	v0 =	vlaneseq.u32  }
0x35: {  	vm7 =	veq.f32 v1, s0;
	v4 =	vor.u32 $0x80000000, v0  }
0x36: {  	vm8 =	veq.f32 v12, s0;
	v5 =	vor.u32 $0x80000010, v0;
	v2 =	vnsel vm7, $0x80100000, v4  }
0x37: {  	(xrf0) =	vmin.scan.msk.u32 $0xffff, v2;
	v2 =	vnsel vm8, $0x80100000, v5;
	_ =	sdelay $0x1  }
0x38: {  	vm9 =	veq.f32 v13, s0;
	v6 =	vor.u32 $0x80000020, v0;
	(xrf0) =	vmin.scan.msk.u32 $0xffff, v2  }
0x39: {  	v3 =	vnsel vm9, $0x80100000, v6;
	v2, _, _ =	vpop (xrf2)  }
0x3a: {  	vm10 =	veq.f32 v14, s0;
	v7 =	vor.u32 $0x80000030, v0;
	(xrf0) =	vmin.scan.msk.u32 $0xffff, v3;
	(v2sf) =	vpush v2, $0xF;
	v2, _, _ =	vpop (xrf2)  }
0x3b: {  	v3 =	vnsel vm10, $0x80100000, v7;
	(v2sf) =	vpush v2, $0xF;
	v2, _, _ =	vpop (xrf2)  }
0x3c: {  	(xrf0) =	vmin.scan.msk.u32 $0xffff, v3;
	(v2sf) =	vpush v2, $0xF;
	v2, _, _ =	vpop (xrf2)  }
0x3d: {  	(v2sf) =	vpush v2, $0xF;
	v2, _, _ =	vpop (xrf0)  }
0x3e: {  	(v2sf) =	vpush v2, $0xF;
	v2, _, _ =	vpop (xrf0)  }
0x3f: {  	(v2sf) =	vpush v2, $0xF  }
0x40: {  	v2, _, _ =	vpop (xrf0)  }
0x41: {  	(v2sf) =	vpush v2, $0xF  }
0x42: {  	v2, _, _ =	vpop (xrf0)  }
0x43: {  	(v2sf) =	vpush v2, $0xF;
	_ =	sdelay $0x5  }
0x44: {  	s15 =	spop (v2sf)  }
0x45: {  	s16 =	spop (v2sf)  }
0x46: {  	s17 =	spop (v2sf)  }
0x47: {  	s19 =	spop (v2sf)  }
0x48: {  	s20 =	spop (v2sf)  }
0x49: {  	s21 =	spop (v2sf)  }
0x4a: {  	s0 =	sxor.u32 $0x80000000, s20;
	s1 =	sxor.u32 $0x80000000, s21  }
0x4b: {  	s22 =	spop (v2sf);
	p0 =	slt.s32 s0, s1  }
0x4c: {  	s1 =	smov.u32 @p0 s0;
	s0 =	sxor.u32 $0x80000000, s22  }
0x4d: {  	s23 =	spop (v2sf);
	p0 =	slt.s32 s1, s0  }
0x4e: {  	s7 =	sxor.u32 $0x80000000, s23;
	s0 =	smov.u32 @p0 s1  }
0x4f: {  	p0 =	slt.s32 s0, s7  }
0x50: {  	s7 =	smov.u32 @p0 s0  }
0x51: {  	p0 =	slt.s32 s7, $0x100000  }
0x52: {  	s7 =	simm.s32 @!p0 $0x100000  }
0x53: {  	v15 =	vmov s7  }
0x54: {  	v3 =	vor.u32 $0x10, v0;
	vm11 =	veq.s32 v15, v0  }
0x55: {  	v2 =	vor.u32 $0x20, v0;
	vm12 =	veq.s32 v15, v3;
	v16 =	vsel vm11, $0xFF61B1E6, v1  }
0x56: {  	vm13 =	veq.s32 v15, v2;
	v12 =	vsel vm12, $0xFF61B1E6, v12;
	v1 =	vor.u32 $0x30, v0;
	(xrf0) =	vmax.scan.msk.f32 $0xffff, v16  }
0x57: {  	v13 =	vsel vm13, $0xFF61B1E6, v13;
	vm14 =	veq.s32 v15, v1;
	(xrf0) =	vmax.scan.msk.f32 $0xffff, v12  }
0x58: {  	v14 =	vsel vm14, $0xFF61B1E6, v14;
	(xrf0) =	vmax.scan.msk.f32 $0xffff, v13  }
0x59: {  	(xrf0) =	vmax.scan.msk.f32 $0xffff, v14;
	_ =	sdelay $0x2  }
0x5a: {  	v59, _, _ =	vpop (xrf0)  }
0x5b: {  	(v2sf) =	vpush v59, $0xF;
	v60, _, _ =	vpop (xrf0)  }
0x5c: {  	(v2sf) =	vpush v60, $0xF;
	v61, _, _ =	vpop (xrf0)  }
0x5d: {  	(v2sf) =	vpush v61, $0xF;
	v62, _, _ =	vpop (xrf0)  }
0x5e: {  	(v2sf) =	vpush v62, $0xF;
	_ =	sdelay $0xb  }
0x5f: {  	s24 =	spop (v2sf)  }
0x60: {  	s0 =	smax.f32 s24, $-3.000000010e+38;
	s25 =	spop (v2sf)  }
0x61: {  	s0 =	smax.f32 s0, s25;
	s26 =	spop (v2sf)  }
0x62: {  	s0 =	smax.f32 s0, s26;
	s28 =	spop (v2sf)  }
0x63: {  	s0 =	smax.f32 s0, s28  }
0x64: {  	vm15 =	veq.f32 v16, s0  }
0x65: {  	vm4 =	veq.f32 v12, s0;
	v63 =	vnsel vm15, $0x80100000, v4  }
0x66: {  	v12 =	vnsel vm4, $0x80100000, v5;
	(xrf0) =	vmin.scan.msk.u32 $0xffff, v63  }
0x67: {  	vm5 =	veq.f32 v13, s0;
	(xrf0) =	vmin.scan.msk.u32 $0xffff, v12  }
0x68: {  	v18 =	vnsel vm5, $0x80100000, v6  }
0x69: {  	vm6 =	veq.f32 v14, s0;
	(xrf0) =	vmin.scan.msk.u32 $0xffff, v18  }
0x6a: {  	v19 =	vnsel vm6, $0x80100000, v7  }
0x6b: {  	(xrf0) =	vmin.scan.msk.u32 $0xffff, v19  }
0x6c: {  	v20, _, _ =	vpop (xrf0)  }
0x6d: {  	(v2sf) =	vpush v20, $0xF;
	v21, _, _ =	vpop (xrf0)  }
0x6e: {  	(v2sf) =	vpush v21, $0xF  }
0x6f: {  	v22, _, _ =	vpop (xrf0)  }
0x70: {  	(v2sf) =	vpush v22, $0xF  }
0x71: {  	v23, _, _ =	vpop (xrf0)  }
0x72: {  	(v2sf) =	vpush v23, $0xF;
	_ =	sdelay $0x9  }
0x73: {  	s29 =	spop (v2sf)  }
0x74: {  	s30 =	spop (v2sf)  }
0x75: {  	s0 =	sxor.u32 $0x80000000, s29;
	s1 =	sxor.u32 $0x80000000, s30  }
0x76: {  	s31 =	spop (v2sf);
	p0 =	slt.s32 s0, s1  }
0x77: {  	s1 =	smov.u32 @p0 s0;
	s0 =	sxor.u32 $0x80000000, s31  }
0x78: {  	s3 =	spop (v2sf);
	p0 =	slt.s32 s1, s0  }
0x79: {  	[dreg:$0x5] =	wrdreg s9;
	s9 =	sxor.u32 $0x80000000, s3;
	s0 =	smov.u32 @p0 s1  }
0x7a: {  	p0 =	slt.s32 s0, s9  }
0x7b: {  	s9 =	smov.u32 @p0 s0  }
0x7c: {  	p0 =	slt.s32 s9, $0x100000  }
0x7d: {  	s9 =	simm.s32 @!p0 $0x100000  }
0x7e: {  	v24 =	vmov s9  }
0x7f: {  	vm7 =	veq.s32 v24, v0  }
0x80: {  	vm8 =	veq.s32 v24, v3;
	v11 =	vnsel vm7, $0x0, v11  }
0x81: {  	vm9 =	veq.s32 v24, v2;
	v10 =	vnsel vm8, $0x0, v10;
	(xrf2) =	vadd.scan.msk.f32 $0xffff, v11  }
0x82: {  	vm10 =	veq.s32 v24, v1;
	v9 =	vnsel vm9, $0x0, v9;
	(xrf2) =	vadd.scan.msk.f32 $0xffff, v10  }
0x83: {  	v8 =	vnsel vm10, $0x0, v8;
	(xrf2) =	vadd.scan.msk.f32 $0xffff, v9  }
0x84: {  	v25 =	vld [tilespmem:$0x80];
	(xrf2) =	vadd.scan.msk.f32 $0xffff, v8  }
0x85: {  	v26 =	vld [tilespmem:$0x90]  }
0x86: {  	v27 =	vld [tilespmem:$0xA0]  }
0x87: {  	v28 =	vld [tilespmem:$0xB0];
	_ =	sdelay $0x1  }
0x88: {  	(xrf0) =	vmax.scan.msk.f32 $0xffff, v25  }
0x89: {  	(xrf0) =	vmax.scan.msk.f32 $0xffff, v26  }
0x8a: {  	(xrf0) =	vmax.scan.msk.f32 $0xffff, v27;
	v29, _, _ =	vpop (xrf2)  }
0x8b: {  	(xrf0) =	vmax.scan.msk.f32 $0xffff, v28;
	(v2sf) =	vpush v29, $0xF;
	v30, _, _ =	vpop (xrf2)  }
0x8c: {  	(v2sf) =	vpush v30, $0xF;
	v31, _, _ =	vpop (xrf2)  }
0x8d: {  	(v2sf) =	vpush v31, $0xF;
	v32, _, _ =	vpop (xrf2)  }
0x8e: {  	v33, _, _ =	vpop (xrf0);
	(v2sf) =	vpush v32, $0xF  }
0x8f: {  	v34, _, _ =	vpop (xrf0);
	(v2sf) =	vpush v33, $0xF  }
0x90: {  	v35, _, _ =	vpop (xrf0);
	(v2sf) =	vpush v34, $0xF  }
0x91: {  	v36, _, _ =	vpop (xrf0);
	(v2sf) =	vpush v35, $0xF  }
0x92: {  	(v2sf) =	vpush v36, $0xF;
	_ =	sdelay $0x7  }
0x93: {  	[dreg:$0x8] =	wrdreg s16;
	s16 =	spop (v2sf)  }
0x94: {  	s4 =	spop (v2sf)  }
0x95: {  	s5 =	spop (v2sf)  }
0x96: {  	s6 =	spop (v2sf)  }
0x97: {  	[dreg:$0x4] =	wrdreg s10;
	s8 =	spop (v2sf)  }
0x98: {  	s0 =	smax.f32 s8, $-3.000000010e+38;
	s10 =	spop (v2sf)  }
0x99: {  	s0 =	smax.f32 s0, s10;
	s11 =	spop (v2sf)  }
0x9a: {  	s0 =	smax.f32 s0, s11;
	s12 =	spop (v2sf)  }
0x9b: {  	s0 =	smax.f32 s0, s12  }
0x9c: {  	v37 =	vmov s0  }
0x9d: {  	v38 =	vsub.f32 v25, v37  }
0x9e: {  	v39 =	vsub.f32 v26, v37  }
0x9f: {  	v40 =	vsub.f32 v27, v37;
	v13 =	vmul.f32 $1.442695020e+00, v38  }
0xa0: {  	v12 =	vsub.f32 v28, v37;
	v14 =	vmul.f32 $1.442695020e+00, v39  }
0xa1: {  	v41 =	vmul.f32 $1.442695020e+00, v40;
	(erf) = vpow2.f32 v13  }
0xa2: {  	v12 =	vmul.f32 $1.442695020e+00, v12;
	(erf) = vpow2.f32 v14  }
0xa3: {  	(erf) = vpow2.f32 v41  }
0xa4: {  	(erf) = vpow2.f32 v12;
	_ =	sdelay $0x5  }
0xa5: {  	v42 =	vpop (erf)  }
0xa6: {  	v43 =	vpop (erf);
	(xrf2) =	vadd.scan.msk.f32 $0xffff, v42  }
0xa7: {  	v44 =	vpop (erf);
	(xrf2) =	vadd.scan.msk.f32 $0xffff, v43  }
0xa8: {  	v45 =	vpop (erf);
	(xrf2) =	vadd.scan.msk.f32 $0xffff, v44  }
0xa9: {  	(xrf2) =	vadd.scan.msk.f32 $0xffff, v45;
	_ =	sdelay $0x2  }
0xaa: {  	vm11 =	veq.f32 v25, s0  }
0xab: {  	vm12 =	veq.f32 v26, s0;
	v46 =	vnsel vm11, $0x80100000, v4  }
0xac: {  	v47 =	vnsel vm12, $0x80100000, v5;
	(xrf0) =	vmin.scan.msk.u32 $0xffff, v46  }
0xad: {  	vm13 =	veq.f32 v27, s0;
	(xrf0) =	vmin.scan.msk.u32 $0xffff, v47  }
0xae: {  	v17 =	vnsel vm13, $0x80100000, v6;
	v48, _, _ =	vpop (xrf2)  }
0xaf: {  	vm14 =	veq.f32 v28, s0;
	(xrf0) =	vmin.scan.msk.u32 $0xffff, v17;
	(v2sf) =	vpush v48, $0xF;
	v49, _, _ =	vpop (xrf2)  }
0xb0: {  	v51 =	vnsel vm14, $0x80100000, v7;
	(v2sf) =	vpush v49, $0xF;
	v50, _, _ =	vpop (xrf2)  }
0xb1: {  	(xrf0) =	vmin.scan.msk.u32 $0xffff, v51;
	(v2sf) =	vpush v50, $0xF;
	v52, _, _ =	vpop (xrf2)  }
0xb2: {  	v53, _, _ =	vpop (xrf0);
	(v2sf) =	vpush v52, $0xF  }
0xb3: {  	v54, _, _ =	vpop (xrf0);
	(v2sf) =	vpush v53, $0xF  }
0xb4: {  	(v2sf) =	vpush v54, $0xF  }
0xb5: {  	v55, _, _ =	vpop (xrf0)  }
0xb6: {  	(v2sf) =	vpush v55, $0xF  }
0xb7: {  	v56, _, _ =	vpop (xrf0)  }
0xb8: {  	(v2sf) =	vpush v56, $0xF;
	_ =	sdelay $0x5  }
0xb9: {  	s22 =	spop (v2sf)  }
0xba: {  	s21 =	spop (v2sf)  }
0xbb: {  	s20 =	spop (v2sf)  }
0xbc: {  	s13 =	spop (v2sf)  }
0xbd: {  	s14 =	spop (v2sf)  }
0xbe: {  	[dreg:$0x9] =	wrdreg s15;
	s15 =	spop (v2sf)  }
0xbf: {  	s0 =	sxor.u32 $0x80000000, s14;
	s1 =	sxor.u32 $0x80000000, s15  }
0xc0: {  	[dreg:$0x7] =	wrdreg s17;
	s17 =	spop (v2sf);
	p0 =	slt.s32 s0, s1  }
0xc1: {  	s1 =	smov.u32 @p0 s0;
	s0 =	sxor.u32 $0x80000000, s17  }
0xc2: {  	[dreg:$0x6] =	wrdreg s19;
	s19 =	spop (v2sf);
	p0 =	slt.s32 s1, s0  }
0xc3: {  	[dreg:$0xd] =	wrdreg s13;
	s13 =	sxor.u32 $0x80000000, s19;
	s0 =	smov.u32 @p0 s1  }
0xc4: {  	p0 =	slt.s32 s0, s13  }
0xc5: {  	s13 =	smov.u32 @p0 s0  }
0xc6: {  	p0 =	slt.s32 s13, $0x100000  }
0xc7: {  	s13 =	simm.s32 @!p0 $0x100000  }
0xc8: {  	v57 =	vmov s13  }
0xc9: {  	vm15 =	veq.s32 v57, v0  }
0xca: {  	vm4 =	veq.s32 v57, v3;
	v8 =	vsel vm15, $0xFF61B1E6, v25  }
0xcb: {  	vm5 =	veq.s32 v57, v2;
	v9 =	vsel vm4, $0xFF61B1E6, v26;
	(xrf0) =	vmax.scan.msk.f32 $0xffff, v8  }
0xcc: {  	vm6 =	veq.s32 v57, v1;
	v10 =	vsel vm5, $0xFF61B1E6, v27;
	(xrf0) =	vmax.scan.msk.f32 $0xffff, v9  }
0xcd: {  	v11 =	vsel vm6, $0xFF61B1E6, v28;
	(xrf0) =	vmax.scan.msk.f32 $0xffff, v10  }
0xce: {  	(xrf0) =	vmax.scan.msk.f32 $0xffff, v11;
	_ =	sdelay $0x2  }
0xcf: {  	v58, _, _ =	vpop (xrf0)  }
0xd0: {  	(v2sf) =	vpush v58, $0xF;
	v59, _, _ =	vpop (xrf0)  }
0xd1: {  	(v2sf) =	vpush v59, $0xF;
	v60, _, _ =	vpop (xrf0)  }
0xd2: {  	(v2sf) =	vpush v60, $0xF;
	v61, _, _ =	vpop (xrf0)  }
0xd3: {  	(v2sf) =	vpush v61, $0xF;
	_ =	sdelay $0xb  }
0xd4: {  	s23 =	spop (v2sf)  }
0xd5: {  	s0 =	smax.f32 s23, $-3.000000010e+38;
	s24 =	spop (v2sf)  }
0xd6: {  	s0 =	smax.f32 s0, s24;
	s25 =	spop (v2sf)  }
0xd7: {  	s0 =	smax.f32 s0, s25;
	s26 =	spop (v2sf)  }
0xd8: {  	s0 =	smax.f32 s0, s26  }
0xd9: {  	vm7 =	veq.f32 v8, s0  }
0xda: {  	vm8 =	veq.f32 v9, s0;
	v8 =	vnsel vm7, $0x80100000, v4  }
0xdb: {  	v62 =	vnsel vm8, $0x80100000, v5;
	(xrf0) =	vmin.scan.msk.u32 $0xffff, v8  }
0xdc: {  	vm9 =	veq.f32 v10, s0;
	(xrf0) =	vmin.scan.msk.u32 $0xffff, v62  }
0xdd: {  	v63 =	vnsel vm9, $0x80100000, v6  }
0xde: {  	vm10 =	veq.f32 v11, s0;
	(xrf0) =	vmin.scan.msk.u32 $0xffff, v63  }
0xdf: {  	v16 =	vnsel vm10, $0x80100000, v7  }
0xe0: {  	(xrf0) =	vmin.scan.msk.u32 $0xffff, v16  }
0xe1: {  	v17, _, _ =	vpop (xrf0)  }
0xe2: {  	(v2sf) =	vpush v17, $0xF;
	v18, _, _ =	vpop (xrf0)  }
0xe3: {  	(v2sf) =	vpush v18, $0xF  }
0xe4: {  	v19, _, _ =	vpop (xrf0)  }
0xe5: {  	(v2sf) =	vpush v19, $0xF  }
0xe6: {  	v20, _, _ =	vpop (xrf0)  }
0xe7: {  	(v2sf) =	vpush v20, $0xF;
	_ =	sdelay $0x9  }
0xe8: {  	s28 =	spop (v2sf)  }
0xe9: {  	s29 =	spop (v2sf)  }
0xea: {  	s0 =	sxor.u32 $0x80000000, s28;
	s1 =	sxor.u32 $0x80000000, s29  }
0xeb: {  	s30 =	spop (v2sf);
	p0 =	slt.s32 s0, s1  }
0xec: {  	s1 =	smov.u32 @p0 s0;
	s0 =	sxor.u32 $0x80000000, s30  }
0xed: {  	s31 =	spop (v2sf);
	p0 =	slt.s32 s1, s0  }
0xee: {  	s19 =	sxor.u32 $0x80000000, s31;
	s0 =	smov.u32 @p0 s1  }
0xef: {  	p0 =	slt.s32 s0, s19  }
0xf0: {  	s19 =	smov.u32 @p0 s0  }
0xf1: {  	p0 =	slt.s32 s19, $0x100000  }
0xf2: {  	s19 =	simm.s32 @!p0 $0x100000  }
0xf3: {  	v21 =	vmov s19  }
0xf4: {  	vm11 =	veq.s32 v21, v0  }
0xf5: {  	vm12 =	veq.s32 v21, v3;
	v22 =	vnsel vm11, $0x0, v42  }
0xf6: {  	vm13 =	veq.s32 v21, v2;
	v23 =	vnsel vm12, $0x0, v43;
	(xrf2) =	vadd.scan.msk.f32 $0xffff, v22  }
0xf7: {  	vm14 =	veq.s32 v21, v1;
	v24 =	vnsel vm13, $0x0, v44;
	(xrf2) =	vadd.scan.msk.f32 $0xffff, v23  }
0xf8: {  	v8 =	vnsel vm14, $0x0, v45;
	(xrf2) =	vadd.scan.msk.f32 $0xffff, v24  }
0xf9: {  	v25 =	vld [tilespmem:$0x100];
	(xrf2) =	vadd.scan.msk.f32 $0xffff, v8  }
0xfa: {  	v26 =	vld [tilespmem:$0x110]  }
0xfb: {  	v27 =	vld [tilespmem:$0x120]  }
0xfc: {  	v28 =	vld [tilespmem:$0x130];
	_ =	sdelay $0x1  }
0xfd: {  	(xrf0) =	vmax.scan.msk.f32 $0xffff, v25  }
0xfe: {  	(xrf0) =	vmax.scan.msk.f32 $0xffff, v26  }
0xff: {  	(xrf0) =	vmax.scan.msk.f32 $0xffff, v27;
	v29, _, _ =	vpop (xrf2)  }
0x100: {  	(xrf0) =	vmax.scan.msk.f32 $0xffff, v28;
	(v2sf) =	vpush v29, $0xF;
	v30, _, _ =	vpop (xrf2)  }
0x101: {  	(v2sf) =	vpush v30, $0xF;
	v31, _, _ =	vpop (xrf2)  }
0x102: {  	(v2sf) =	vpush v31, $0xF;
	v32, _, _ =	vpop (xrf2)  }
0x103: {  	v33, _, _ =	vpop (xrf0);
	(v2sf) =	vpush v32, $0xF  }
0x104: {  	v34, _, _ =	vpop (xrf0);
	(v2sf) =	vpush v33, $0xF  }
0x105: {  	v35, _, _ =	vpop (xrf0);
	(v2sf) =	vpush v34, $0xF  }
0x106: {  	v36, _, _ =	vpop (xrf0);
	(v2sf) =	vpush v35, $0xF  }
0x107: {  	(v2sf) =	vpush v36, $0xF;
	_ =	sdelay $0x7  }
0x108: {  	s28 =	spop (v2sf)  }
0x109: {  	s26 =	spop (v2sf)  }
0x10a: {  	s25 =	spop (v2sf)  }
0x10b: {  	s23 =	spop (v2sf)  }
0x10c: {  	[dreg:$0xc] =	wrdreg s4;
	s1 =	spop (v2sf)  }
0x10d: {  	s0 =	smax.f32 s1, $-3.000000010e+38;
	s2 =	spop (v2sf)  }
0x10e: {  	s0 =	smax.f32 s0, s2;
	s3 =	spop (v2sf)  }
0x10f: {  	s0 =	smax.f32 s0, s3;
	s4 =	spop (v2sf)  }
0x110: {  	s0 =	smax.f32 s0, s4  }
0x111: {  	v37 =	vmov s0  }
0x112: {  	v38 =	vsub.f32 v25, v37  }
0x113: {  	v39 =	vsub.f32 v26, v37  }
0x114: {  	v40 =	vsub.f32 v27, v37;
	v13 =	vmul.f32 $1.442695020e+00, v38  }
0x115: {  	v12 =	vsub.f32 v28, v37;
	v14 =	vmul.f32 $1.442695020e+00, v39  }
0x116: {  	v41 =	vmul.f32 $1.442695020e+00, v40;
	(erf) = vpow2.f32 v13  }
0x117: {  	v12 =	vmul.f32 $1.442695020e+00, v12;
	(erf) = vpow2.f32 v14  }
0x118: {  	(erf) = vpow2.f32 v41  }
0x119: {  	(erf) = vpow2.f32 v12;
	_ =	sdelay $0x5  }
0x11a: {  	v42 =	vpop (erf)  }
0x11b: {  	v43 =	vpop (erf);
	(xrf2) =	vadd.scan.msk.f32 $0xffff, v42  }
0x11c: {  	v44 =	vpop (erf);
	(xrf2) =	vadd.scan.msk.f32 $0xffff, v43  }
0x11d: {  	v45 =	vpop (erf);
	(xrf2) =	vadd.scan.msk.f32 $0xffff, v44  }
0x11e: {  	(xrf2) =	vadd.scan.msk.f32 $0xffff, v45;
	_ =	sdelay $0x2  }
0x11f: {  	vm15 =	veq.f32 v25, s0  }
0x120: {  	vm4 =	veq.f32 v26, s0;
	v46 =	vnsel vm15, $0x80100000, v4  }
0x121: {  	v47 =	vnsel vm4, $0x80100000, v5;
	(xrf0) =	vmin.scan.msk.u32 $0xffff, v46  }
0x122: {  	vm5 =	veq.f32 v27, s0;
	(xrf0) =	vmin.scan.msk.u32 $0xffff, v47  }
0x123: {  	v49 =	vnsel vm5, $0x80100000, v6;
	v48, _, _ =	vpop (xrf2)  }
0x124: {  	vm6 =	veq.f32 v28, s0;
	(xrf0) =	vmin.scan.msk.u32 $0xffff, v49;
	(v2sf) =	vpush v48, $0xF;
	v50, _, _ =	vpop (xrf2)  }
0x125: {  	v52 =	vnsel vm6, $0x80100000, v7;
	(v2sf) =	vpush v50, $0xF;
	v51, _, _ =	vpop (xrf2)  }
0x126: {  	(xrf0) =	vmin.scan.msk.u32 $0xffff, v52;
	(v2sf) =	vpush v51, $0xF;
	v53, _, _ =	vpop (xrf2)  }
0x127: {  	v54, _, _ =	vpop (xrf0);
	(v2sf) =	vpush v53, $0xF  }
0x128: {  	v55, _, _ =	vpop (xrf0);
	(v2sf) =	vpush v54, $0xF  }
0x129: {  	(v2sf) =	vpush v55, $0xF  }
0x12a: {  	v56, _, _ =	vpop (xrf0)  }
0x12b: {  	(v2sf) =	vpush v56, $0xF  }
0x12c: {  	v57, _, _ =	vpop (xrf0)  }
0x12d: {  	(v2sf) =	vpush v57, $0xF;
	_ =	sdelay $0x5  }
0x12e: {  	s15 =	spop (v2sf)  }
0x12f: {  	s31 =	spop (v2sf)  }
0x130: {  	s30 =	spop (v2sf)  }
0x131: {  	s29 =	spop (v2sf)  }
0x132: {  	[dreg:$0xb] =	wrdreg s5;
	s5 =	spop (v2sf)  }
0x133: {  	[dreg:$0xa] =	wrdreg s6;
	s6 =	spop (v2sf)  }
0x134: {  	s0 =	sxor.u32 $0x80000000, s5;
	s1 =	sxor.u32 $0x80000000, s6  }
0x135: {  	s8 =	spop (v2sf);
	p0 =	slt.s32 s0, s1  }
0x136: {  	s1 =	smov.u32 @p0 s0;
	s0 =	sxor.u32 $0x80000000, s8  }
0x137: {  	s10 =	spop (v2sf);
	p0 =	slt.s32 s1, s0  }
0x138: {  	s24 =	sxor.u32 $0x80000000, s10;
	s0 =	smov.u32 @p0 s1  }
0x139: {  	p0 =	slt.s32 s0, s24  }
0x13a: {  	s24 =	smov.u32 @p0 s0  }
0x13b: {  	p0 =	slt.s32 s24, $0x100000  }
0x13c: {  	s24 =	simm.s32 @!p0 $0x100000  }
0x13d: {  	v58 =	vmov s24  }
0x13e: {  	vm7 =	veq.s32 v58, v0  }
0x13f: {  	vm8 =	veq.s32 v58, v3;
	v8 =	vsel vm7, $0xFF61B1E6, v25  }
0x140: {  	vm9 =	veq.s32 v58, v2;
	v9 =	vsel vm8, $0xFF61B1E6, v26;
	(xrf0) =	vmax.scan.msk.f32 $0xffff, v8  }
0x141: {  	vm10 =	veq.s32 v58, v1;
	v10 =	vsel vm9, $0xFF61B1E6, v27;
	(xrf0) =	vmax.scan.msk.f32 $0xffff, v9  }
0x142: {  	v11 =	vsel vm10, $0xFF61B1E6, v28;
	(xrf0) =	vmax.scan.msk.f32 $0xffff, v10  }
0x143: {  	(xrf0) =	vmax.scan.msk.f32 $0xffff, v11;
	_ =	sdelay $0x2  }
0x144: {  	v59, _, _ =	vpop (xrf0)  }
0x145: {  	(v2sf) =	vpush v59, $0xF;
	v60, _, _ =	vpop (xrf0)  }
0x146: {  	(v2sf) =	vpush v60, $0xF;
	v61, _, _ =	vpop (xrf0)  }
0x147: {  	(v2sf) =	vpush v61, $0xF;
	v62, _, _ =	vpop (xrf0)  }
0x148: {  	(v2sf) =	vpush v62, $0xF;
	_ =	sdelay $0xb  }
0x149: {  	s11 =	spop (v2sf)  }
0x14a: {  	s0 =	smax.f32 s11, $-3.000000010e+38;
	s12 =	spop (v2sf)  }
0x14b: {  	s0 =	smax.f32 s0, s12;
	s14 =	spop (v2sf)  }
0x14c: {  	s0 =	smax.f32 s0, s14;
	s17 =	spop (v2sf)  }
0x14d: {  	s0 =	smax.f32 s0, s17  }
0x14e: {  	vm11 =	veq.f32 v8, s0  }
0x14f: {  	vm12 =	veq.f32 v9, s0;
	v8 =	vnsel vm11, $0x80100000, v4  }
0x150: {  	v63 =	vnsel vm12, $0x80100000, v5;
	(xrf0) =	vmin.scan.msk.u32 $0xffff, v8  }
0x151: {  	vm13 =	veq.f32 v10, s0;
	(xrf0) =	vmin.scan.msk.u32 $0xffff, v63  }
0x152: {  	v16 =	vnsel vm13, $0x80100000, v6  }
0x153: {  	vm14 =	veq.f32 v11, s0;
	(xrf0) =	vmin.scan.msk.u32 $0xffff, v16  }
0x154: {  	v17 =	vnsel vm14, $0x80100000, v7  }
0x155: {  	(xrf0) =	vmin.scan.msk.u32 $0xffff, v17  }
0x156: {  	v18, _, _ =	vpop (xrf0)  }
0x157: {  	(v2sf) =	vpush v18, $0xF;
	v19, _, _ =	vpop (xrf0)  }
0x158: {  	(v2sf) =	vpush v19, $0xF  }
0x159: {  	v20, _, _ =	vpop (xrf0)  }
0x15a: {  	(v2sf) =	vpush v20, $0xF  }
0x15b: {  	v21, _, _ =	vpop (xrf0)  }
0x15c: {  	(v2sf) =	vpush v21, $0xF;
	_ =	sdelay $0x9  }
0x15d: {  	s2 =	spop (v2sf)  }
0x15e: {  	s3 =	spop (v2sf)  }
0x15f: {  	s0 =	sxor.u32 $0x80000000, s2;
	s1 =	sxor.u32 $0x80000000, s3  }
0x160: {  	s4 =	spop (v2sf);
	p0 =	slt.s32 s0, s1  }
0x161: {  	s1 =	smov.u32 @p0 s0;
	s0 =	sxor.u32 $0x80000000, s4  }
0x162: {  	s5 =	spop (v2sf);
	p0 =	slt.s32 s1, s0  }
0x163: {  	s4 =	sxor.u32 $0x80000000, s5;
	s0 =	smov.u32 @p0 s1  }
0x164: {  	p0 =	slt.s32 s0, s4  }
0x165: {  	s4 =	smov.u32 @p0 s0  }
0x166: {  	p0 =	slt.s32 s4, $0x100000  }
0x167: {  	s4 =	simm.s32 @!p0 $0x100000  }
0x168: {  	v22 =	vmov s4  }
0x169: {  	vm15 =	veq.s32 v22, v0  }
0x16a: {  	vm4 =	veq.s32 v22, v3;
	v23 =	vnsel vm15, $0x0, v42  }
0x16b: {  	vm5 =	veq.s32 v22, v2;
	v24 =	vnsel vm4, $0x0, v43;
	(xrf2) =	vadd.scan.msk.f32 $0xffff, v23  }
0x16c: {  	vm6 =	veq.s32 v22, v1;
	v25 =	vnsel vm5, $0x0, v44;
	(xrf2) =	vadd.scan.msk.f32 $0xffff, v24  }
0x16d: {  	v8 =	vnsel vm6, $0x0, v45;
	(xrf2) =	vadd.scan.msk.f32 $0xffff, v25  }
0x16e: {  	v26 =	vld [tilespmem:$0x180];
	(xrf2) =	vadd.scan.msk.f32 $0xffff, v8  }
0x16f: {  	v27 =	vld [tilespmem:$0x190]  }
0x170: {  	v28 =	vld [tilespmem:$0x1A0]  }
0x171: {  	v29 =	vld [tilespmem:$0x1B0];
	_ =	sdelay $0x1  }
0x172: {  	(xrf0) =	vmax.scan.msk.f32 $0xffff, v26  }
0x173: {  	(xrf0) =	vmax.scan.msk.f32 $0xffff, v27  }
0x174: {  	(xrf0) =	vmax.scan.msk.f32 $0xffff, v28;
	v30, _, _ =	vpop (xrf2)  }
0x175: {  	(xrf0) =	vmax.scan.msk.f32 $0xffff, v29;
	(v2sf) =	vpush v30, $0xF;
	v31, _, _ =	vpop (xrf2)  }
0x176: {  	(v2sf) =	vpush v31, $0xF;
	v32, _, _ =	vpop (xrf2)  }
0x177: {  	(v2sf) =	vpush v32, $0xF;
	v33, _, _ =	vpop (xrf2)  }
0x178: {  	v34, _, _ =	vpop (xrf0);
	(v2sf) =	vpush v33, $0xF  }
0x179: {  	v35, _, _ =	vpop (xrf0);
	(v2sf) =	vpush v34, $0xF  }
0x17a: {  	v36, _, _ =	vpop (xrf0);
	(v2sf) =	vpush v35, $0xF  }
0x17b: {  	v37, _, _ =	vpop (xrf0);
	(v2sf) =	vpush v36, $0xF  }
0x17c: {  	(v2sf) =	vpush v37, $0xF;
	_ =	sdelay $0x7  }
0x17d: {  	s8 =	spop (v2sf)  }
0x17e: {  	s5 =	spop (v2sf)  }
0x17f: {  	s14 =	spop (v2sf)  }
0x180: {  	s17 =	spop (v2sf)  }
0x181: {  	s6 =	spop (v2sf)  }
0x182: {  	s0 =	smax.f32 s6, $-3.000000010e+38;
	s10 =	spop (v2sf)  }
0x183: {  	s0 =	smax.f32 s0, s10;
	s11 =	spop (v2sf)  }
0x184: {  	s0 =	smax.f32 s0, s11;
	s12 =	spop (v2sf)  }
0x185: {  	s0 =	smax.f32 s0, s12  }
0x186: {  	v38 =	vmov s0  }
0x187: {  	v39 =	vsub.f32 v26, v38  }
0x188: {  	v40 =	vsub.f32 v27, v38  }
0x189: {  	v41 =	vsub.f32 v28, v38;
	v9 =	vmul.f32 $1.442695020e+00, v39  }
0x18a: {  	v8 =	vsub.f32 v29, v38;
	v14 =	vmul.f32 $1.442695020e+00, v40  }
0x18b: {  	v42 =	vmul.f32 $1.442695020e+00, v41;
	(erf) = vpow2.f32 v9  }
0x18c: {  	v8 =	vmul.f32 $1.442695020e+00, v8;
	(erf) = vpow2.f32 v14  }
0x18d: {  	(erf) = vpow2.f32 v42  }
0x18e: {  	(erf) = vpow2.f32 v8;
	_ =	sdelay $0x5  }
0x18f: {  	v43 =	vpop (erf)  }
0x190: {  	v44 =	vpop (erf);
	(xrf2) =	vadd.scan.msk.f32 $0xffff, v43  }
0x191: {  	v9 =	vpop (erf);
	(xrf2) =	vadd.scan.msk.f32 $0xffff, v44  }
0x192: {  	v8 =	vpop (erf);
	(xrf2) =	vadd.scan.msk.f32 $0xffff, v9  }
0x193: {  	(xrf2) =	vadd.scan.msk.f32 $0xffff, v8;
	_ =	sdelay $0x2  }
0x194: {  	vm7 =	veq.f32 v26, s0  }
0x195: {  	vm8 =	veq.f32 v27, s0;
	v45 =	vnsel vm7, $0x80100000, v4  }
0x196: {  	v46 =	vnsel vm8, $0x80100000, v5;
	(xrf0) =	vmin.scan.msk.u32 $0xffff, v45  }
0x197: {  	vm9 =	veq.f32 v28, s0;
	(xrf0) =	vmin.scan.msk.u32 $0xffff, v46  }
0x198: {  	v48 =	vnsel vm9, $0x80100000, v6;
	v47, _, _ =	vpop (xrf2)  }
0x199: {  	vm10 =	veq.f32 v29, s0;
	(xrf0) =	vmin.scan.msk.u32 $0xffff, v48;
	(v2sf) =	vpush v47, $0xF;
	v49, _, _ =	vpop (xrf2)  }
0x19a: {  	v51 =	vnsel vm10, $0x80100000, v7;
	(v2sf) =	vpush v49, $0xF;
	v50, _, _ =	vpop (xrf2)  }
0x19b: {  	(xrf0) =	vmin.scan.msk.u32 $0xffff, v51;
	(v2sf) =	vpush v50, $0xF;
	v52, _, _ =	vpop (xrf2)  }
0x19c: {  	v53, _, _ =	vpop (xrf0);
	(v2sf) =	vpush v52, $0xF  }
0x19d: {  	v54, _, _ =	vpop (xrf0);
	(v2sf) =	vpush v53, $0xF  }
0x19e: {  	(v2sf) =	vpush v54, $0xF  }
0x19f: {  	v55, _, _ =	vpop (xrf0)  }
0x1a0: {  	(v2sf) =	vpush v55, $0xF  }
0x1a1: {  	v56, _, _ =	vpop (xrf0)  }
0x1a2: {  	(v2sf) =	vpush v56, $0xF;
	_ =	sdelay $0x5  }
0x1a3: {  	s3 =	spop (v2sf)  }
0x1a4: {  	s12 =	spop (v2sf)  }
0x1a5: {  	s11 =	spop (v2sf)  }
0x1a6: {  	s10 =	spop (v2sf)  }
0x1a7: {  	s1 =	spop (v2sf)  }
0x1a8: {  	s6 =	spop (v2sf)  }
0x1a9: {  	s0 =	sxor.u32 $0x80000000, s1;
	s6 =	sxor.u32 $0x80000000, s6  }
0x1aa: {  	s2 =	spop (v2sf);
	p0 =	slt.s32 s0, s6  }
0x1ab: {  	s6 =	smov.u32 @p0 s0;
	s0 =	sxor.u32 $0x80000000, s2  }
0x1ac: {  	s2 =	spop (v2sf);
	p0 =	slt.s32 s6, s0  }
0x1ad: {  	s0 =	smov.u32 @p0 s6;
	s6 =	sxor.u32 $0x80000000, s2  }
0x1ae: {  	p0 =	slt.s32 s0, s6  }
0x1af: {  	s6 =	smov.u32 @p0 s0  }
0x1b0: {  	p0 =	slt.s32 s6, $0x100000  }
0x1b1: {  	s6 =	simm.s32 @!p0 $0x100000  }
0x1b2: {  	v57 =	vmov s6  }
0x1b3: {  	vm11 =	veq.s32 v57, v0  }
0x1b4: {  	vm12 =	veq.s32 v57, v3;
	v10 =	vsel vm11, $0xFF61B1E6, v26  }
0x1b5: {  	vm13 =	veq.s32 v57, v2;
	v11 =	vsel vm12, $0xFF61B1E6, v27;
	(xrf0) =	vmax.scan.msk.f32 $0xffff, v10  }
0x1b6: {  	vm14 =	veq.s32 v57, v1;
	v12 =	vsel vm13, $0xFF61B1E6, v28;
	(xrf0) =	vmax.scan.msk.f32 $0xffff, v11  }
0x1b7: {  	v13 =	vsel vm14, $0xFF61B1E6, v29;
	(xrf0) =	vmax.scan.msk.f32 $0xffff, v12  }
0x1b8: {  	(xrf0) =	vmax.scan.msk.f32 $0xffff, v13;
	_ =	sdelay $0x2  }
0x1b9: {  	v58, _, _ =	vpop (xrf0)  }
0x1ba: {  	(v2sf) =	vpush v58, $0xF;
	v59, _, _ =	vpop (xrf0)  }
0x1bb: {  	(v2sf) =	vpush v59, $0xF;
	v60, _, _ =	vpop (xrf0)  }
0x1bc: {  	(v2sf) =	vpush v60, $0xF;
	v61, _, _ =	vpop (xrf0)  }
0x1bd: {  	(v2sf) =	vpush v61, $0xF;
	_ =	sdelay $0xb  }
0x1be: {  	s1 =	spop (v2sf)  }
0x1bf: {  	s0 =	smax.f32 s1, $-3.000000010e+38;
	s2 =	spop (v2sf)  }
0x1c0: {  	s0 =	smax.f32 s0, s2;
	s2 =	spop (v2sf)  }
0x1c1: {  	s0 =	smax.f32 s0, s2;
	s2 =	spop (v2sf)  }
0x1c2: {  	s0 =	smax.f32 s0, s2  }
0x1c3: {  	vm15 =	veq.f32 v10, s0  }
0x1c4: {  	vm4 =	veq.f32 v11, s0;
	v4 =	vnsel vm15, $0x80100000, v4  }
0x1c5: {  	(xrf0) =	vmin.scan.msk.u32 $0xffff, v4;
	v4 =	vnsel vm4, $0x80100000, v5  }
0x1c6: {  	vm5 =	veq.f32 v12, s0;
	(xrf0) =	vmin.scan.msk.u32 $0xffff, v4  }
0x1c7: {  	vm6 =	veq.f32 v13, s0;
	v4 =	vnsel vm5, $0x80100000, v6  }
0x1c8: {  	(xrf0) =	vmin.scan.msk.u32 $0xffff, v4;
	v4 =	vnsel vm6, $0x80100000, v7;
	_ =	sdelay $0x1  }
0x1c9: {  	(xrf0) =	vmin.scan.msk.u32 $0xffff, v4  }
0x1ca: {  	v4, _, _ =	vpop (xrf0)  }
0x1cb: {  	v5, _, _ =	vpop (xrf0);
	(v2sf) =	vpush v4, $0xF  }
0x1cc: {  	(v2sf) =	vpush v5, $0xF  }
0x1cd: {  	v4, _, _ =	vpop (xrf0)  }
0x1ce: {  	(v2sf) =	vpush v4, $0xF  }
0x1cf: {  	v4, _, _ =	vpop (xrf0)  }
0x1d0: {  	(v2sf) =	vpush v4, $0xF;
	_ =	sdelay $0x9  }
0x1d1: {  	s1 =	spop (v2sf)  }
0x1d2: {  	s2 =	spop (v2sf)  }
0x1d3: {  	s22 =	sadd.f32 $0.0e+00, s22;
	s0 =	sxor.u32 $0x80000000, s1;
	s1 =	sxor.u32 $0x80000000, s2  }
0x1d4: {  	s2 =	spop (v2sf);
	p0 =	slt.s32 s0, s1  }
0x1d5: {  	s21 =	sadd.f32 s22, s21;
	s2 =	sxor.u32 $0x80000000, s2;
	s1 =	smov.u32 @p0 s0  }
0x1d6: {  	s22 =	sadd.f32 $0.0e+00, s28;
	s0 =	spop (v2sf);
	p0 =	slt.s32 s1, s2  }
0x1d7: {  	s0 =	sxor.u32 $0x80000000, s0;
	s2 =	smov.u32 @p0 s1  }
0x1d8: {  	s28 =	sadd.f32 s22, s26;
	p0 =	slt.s32 s2, s0  }
0x1d9: {  	s22 =	rddreg [dreg:$0xd];
	s0 =	smov.u32 @p0 s2  }
0x1da: {  	s25 =	sadd.f32 s28, s25;
	p0 =	slt.s32 s0, $0x100000  }
0x1db: {  	s26 =	sadd.f32 $0.0e+00, s15;
	s0 =	simm.s32 @!p0 $0x100000  }
0x1dc: {  	s15 =	sadd.f32 s25, s23;
	v4 =	vmov s0  }
0x1dd: {  	s23 =	rddreg [dreg:$0x4];
	vm7 =	veq.s32 v4, v0  }
0x1de: {  	s28 =	sadd.f32 s26, s31;
	v5 =	vnsel vm7, $0x0, v43  }
0x1df: {  	s8 =	sadd.f32 $0.0e+00, s8;
	vm8 =	veq.s32 v4, v3;
	(xrf2) =	vadd.scan.msk.f32 $0xffff, v5  }
0x1e0: {  	s3 =	sadd.f32 $0.0e+00, s3;
	v5 =	vnsel vm8, $0x0, v44  }
0x1e1: {  	s5 =	sadd.f32 s8, s5;
	vm9 =	veq.s32 v4, v2;
	(xrf2) =	vadd.scan.msk.f32 $0xffff, v5  }
0x1e2: {  	s12 =	sadd.f32 s3, s12;
	v5 =	vnsel vm9, $0x0, v9  }
0x1e3: {  	s2 =	rddreg [dreg:$0x9];
	vm10 =	veq.s32 v4, v1;
	(xrf2) =	vadd.scan.msk.f32 $0xffff, v5  }
0x1e4: {  	s1 =	sadd.f32 $0.0e+00, s2;
	v4 =	vnsel vm10, $0x0, v8  }
0x1e5: {  	s2 =	rddreg [dreg:$0x8];
	(xrf2) =	vadd.scan.msk.f32 $0xffff, v4  }
0x1e6: {  	s1 =	sadd.f32 s1, s2  }
0x1e7: {  	s2 =	sadd.f32 $0.0e+00, s16  }
0x1e8: {  	s16 =	rddreg [dreg:$0x7]  }
0x1e9: {  	s1 =	sadd.f32 s1, s16;
	v4, _, _ =	vpop (xrf2)  }
0x1ea: {  	s16 =	rddreg [dreg:$0xc];
	(v2sf) =	vpush v4, $0xF  }
0x1eb: {  	s2 =	sadd.f32 s2, s16;
	v4, _, _ =	vpop (xrf2)  }
0x1ec: {  	s16 =	rddreg [dreg:$0x6];
	(v2sf) =	vpush v4, $0xF  }
0x1ed: {  	s1 =	sadd.f32 s1, s16;
	v4, _, _ =	vpop (xrf2)  }
0x1ee: {  	s16 =	rddreg [dreg:$0xb];
	(v2sf) =	vpush v4, $0xF  }
0x1ef: {  	s2 =	sadd.f32 s2, s16;
	v4, _, _ =	vpop (xrf2)  }
0x1f0: {  	s16 =	rddreg [dreg:$0xa];
	(v2sf) =	vpush v4, $0xF  }
0x1f1: {  	s16 =	sadd.f32 s2, s16  }
0x1f2: {  	s2 =	sadd.f32 s21, s20  }
0x1f3: {  	s11 =	sadd.f32 s12, s11  }
0x1f4: {  	s21 =	sadd.f32 s2, s22  }
0x1f5: {  	s2 =	sadd.f32 s28, s30  }
0x1f6: {  	s30 =	sadd.f32 s5, s14  }
0x1f7: {  	s8 =	sadd.f32 s2, s29  }
0x1f8: {  	s2 =	sadd.f32 s30, s17  }
0x1f9: {  	s17 =	rddreg [dreg:$0x5];
	s31 =	spop (v2sf)  }
0x1fa: {  	s3 =	simm.f32 $1.000000000e+00;
	s14 =	sxor.u32 $0x80000000, s17;
	s5 =	sadd.f32 $0.0e+00, s31  }
0x1fb: {  	p0 =	sgt.s32 s14, $0x0;
	p1 =	sgt.s32 s14, $0x1;
	s20 =	spop (v2sf)  }
0x1fc: {  	s3 =	simm.s32 @!p0 $0x0;
	s16 =	simm.s32 @!p1 $0x0;
	s5 =	sadd.f32 s5, s20  }
0x1fd: {  	s17 =	sadd.f32 s16, s3;
	s22 =	spop (v2sf)  }
0x1fe: {  	p0 =	seq.s32 s23, $0x80000000;
	s15 =	simm.s32 @!p1 $0x0;
	s5 =	sadd.f32 s5, s22  }
0x1ff: {  	s17 =	smov.u32 @p0 s1;
	s1 =	sadd.f32 s15, s3;
	s25 =	spop (v2sf)  }
0x200: {  	s5 =	sadd.f32 s5, s25  }
0x201: {  	s10 =	sadd.f32 s11, s10;
	vm11 =	vcmask $0x1F00;
	s2 =	simm.s32 @!p1 $0x0;
	v4 =	vmov s17  }
0x202: {  	vm12 =	vcmask $0xF08;
	s12 =	sadd.f32 s2, s3;
	s1 =	smov.u32 @p0 s21;
	v4 =	vnsel vm11, $0x3F800000, v4;
	s5 =	simm.s32 @!p1 $0x0  }
0x203: {  	vm1 =	vcmask $0x2F04;
	v4 =	vsel vm12, s1, v4;
	s1 =	sadd.f32 s5, s3  }
0x204: {  	vm2 =	vcmask $0x1720;
	vm3 =	vcmask $0x300;
	vm13 =	vcmask $0xF20;
	s12 =	smov.u32 @p0 s8  }
0x205: {  	v62 =	vimm.s32 $0x4F4E4D4C;
	v5 =	vimm.s32 $0x4B4A4948;
	v4 =	vnsel vm13, s12, v4;
	s1 =	smov.u32 @p0 s10  }
0x206: {  	vm14 =	vcmask $0x3F30;
	v5 =	vunpack.c.0.s8.s32 v5;
	v4 =	vnsel vm2, s1, v4  }
0x207: {  	vm15 =	vcmask $0x704;
	v6 =	vunpack.c.0.s8.s32 v62;
	(erf) = vrcp.f32 v4  }
0x208: {  	vm6 =	vcmask $0x720;
	v5 =	vnsel vm1, s7, v5;
	v4 =	vmov s3  }
0x209: {  	vm7 =	vcmask $0xB08;
	v5 =	vsel vm14, v6, v5;
	v4 =	vnsel vm3, $0x0, v4  }
0x20a: {  	vm8 =	vcmask $0xB20;
	v5 =	vsel vm15, s9, v5;
	v4 =	vsel vm15, s16, v4  }
0x20b: {  	vm9 =	veq.s32 v0, $0x3;
	v5 =	vnsel vm6, s13, v5;
	v4 =	vsel vm7, s3, v4  }
0x20c: {  	vm10 =	vcmask $0x1310;
	v5 =	vnsel vm8, s19, v5;
	v4 =	vsel vm9, s15, v4  }
0x20d: {  	v5 =	vnsel vm13, s24, v5;
	vm11 =	veq.s32 v0, $0x5;
	v4 =	vsel vm10, s3, v4  }
0x20e: {  	vm12 =	vcmask $0x1320;
	vm13 =	vcmask $0x1B18;
	v4 =	vsel vm11, s2, v4  }
0x20f: {  	vm14 =	veq.s32 v0, $0x7;
	v5 =	vnsel vm12, s4, v5;
	v4 =	vsel vm13, s3, v4  }
0x210: {  	v5 =	vnsel vm2, s6, v5;
	vm15 =	vcmask $0x1B20;
	v4 =	vsel vm14, s5, v4;
	v63 =	vpop (erf)  }
0x211: {  	s4 =	rddreg [dreg:$0x2];
	v5 =	vnsel vm15, s0, v5;
	v4 =	vmul.f32 v63, v4  }
0x212: {  	s26 =	stileid.u32;
	s30 =	simm.s32 $0x200;
	s0 =	sadd.s32 $0xC00, s4;
	[tilespmem:$0x200] =	vst v5  }
0x213: {  	s28 =	sadd.s32 s26, s4;
	s2 =	sadd.s32 s0, s26;
	s5 =	simm.s32 $0x0;
	[tilespmem:$0x280] =	vst v4  }
0x214: {  	[hbm4b:s2+s5] =	stream.linear.scatter [tilespmem:s30], [sflag:$0x1], $0x8, $0x38;
	[tilespmem:$0x500] =	vst v63  }
0x215: {  	s31 =	simm.s32 $0x280;
	s1 =	sadd.s32 $0xE00, s28  }
0x216: {  	[hbm4b:s1+s5] =	stream.linear.scatter [tilespmem:s31], [sflag:$0x1], $0x8, $0x38;
	[tilespmem:$0x500] =	vst v63  }
0x217: {  	_ =	swait.ge [sflag:s18], $0x8  }
0x218: {  	[sflag:s18] =	ssyncset.done $0x0  }
0x219: {  	[sflag:s18] =	ssyncadd.s32 $0xFFFFFFF8  }
0x21a: {  	_ =	swait.ge [sflag:s18], $0x8  }
0x21b: {  	[sflag:s18] =	ssyncset.done $0x0  }
0x21c: {  	s29 =	stileid.u32;
	[sflag:s18] =	ssyncadd.s32 $0xFFFFFFF8  }
0x21d: {  	p0 =	sne.s32 s29, $0x0;
	[bflag:$0x0] =	sbarrier.arrive $0xFFFF  }
0x21e: {  	_ =	sfence.sel @p0 $0x180000  }
0x21f: {  	[bflag:$0x0] =	sbarrier.arrive @p0 $0xFFFF  }
0x220: {  	_ =	strace @p0 $0x90000047  }
0x221: {  	[bflag:$0x2] =	sbarrier.arrive @p0 $0xFFFF  }
0x222: {  	_ =	shalt @p0  }
.LBB2_1:
0x223: {  	s1 =	simm.s32 $0x380;
	s24 =	simm.s32 $0x2  }
0x224: {  	[tilespmem:s1], [sflag:$0x2] =	stream.linear.gather [hbm4b:s0+s5], $0x80, $0x38;
	[tilespmem:$0x500] =	vst v63  }
0x225: {  	_ =	swait.ge [sflag:s24], $0x80  }
0x226: {  	[sflag:s24] =	ssyncset.done $0x0  }
0x227: {  	[sflag:s24] =	ssyncadd.s32 $0xFFFFFF80  }
0x228: {  	v4 =	vld [tilespmem:$0x380];
	_ =	sdelay $0x2  }
0x229: {  	v5 =	vimm.s32 $0x0  }
0x22a: {  	[tilespmem:$0x400] =	vst v5  }
0x22b: {  	[tilespmem:$0x410] =	vst v5  }
0x22c: {  	[tilespmem:$0x420] =	vst v5  }
0x22d: {  	v6 =	vimm.s32 $0x1;
	s25 =	simm.s32 $0x400;
	[tilespmem:$0x430] =	vst v5  }
0x22e: {  	[tilespmem:v4+s25+$0x0] =	vst.idx.msk $0xffff, v6  }
0x22f: {  	v4 =	vld [tilespmem:$0x390];
	_ =	sdelay $0x7  }
0x230: {  	[tilespmem:v4+s25+$0x0] =	vst.idx.msk $0xffff, v6  }
0x231: {  	v4 =	vld [tilespmem:$0x3A0];
	_ =	sdelay $0x7  }
0x232: {  	[tilespmem:v4+s25+$0x0] =	vst.idx.msk $0xffff, v6  }
0x233: {  	v4 =	vld [tilespmem:$0x3B0];
	_ =	sdelay $0x7  }
0x234: {  	[tilespmem:v4+s25+$0x0] =	vst.idx.msk $0xffff, v6  }
0x235: {  	v4 =	vld [tilespmem:$0x3C0];
	_ =	sdelay $0x7  }
0x236: {  	[tilespmem:v4+s25+$0x0] =	vst.idx.msk $0xffff, v6  }
0x237: {  	v4 =	vld [tilespmem:$0x3D0];
	_ =	sdelay $0x7  }
0x238: {  	[tilespmem:v4+s25+$0x0] =	vst.idx.msk $0xffff, v6  }
0x239: {  	v4 =	vld [tilespmem:$0x3E0];
	_ =	sdelay $0x7  }
0x23a: {  	[tilespmem:v4+s25+$0x0] =	vst.idx.msk $0xffff, v6  }
0x23b: {  	v4 =	vld [tilespmem:$0x3F0];
	_ =	sdelay $0x7  }
0x23c: {  	[tilespmem:v4+s25+$0x0] =	vst.idx.msk $0xffff, v6  }
0x23d: {  	v4 =	vld [tilespmem:$0x400];
	_ =	sdelay $0x4  }
0x23e: {  	(xrf0) =	vadd.scan.msk.s32 $0xffff, v4;
	_ =	sdelay $0x5  }
0x23f: {  	vm0 =	vgt.s32 v4, $0x0;
	v48, _, _ =	vpop (xrf0)  }
0x240: {  	[tilespmem:$0x480] =	vst v5;
	v4 =	vsub.s32 v48, v4;
	v6 =	vxor.u32 $0x80000000, v48  }
0x241: {  	[tilespmem:$0x490] =	vst v5;
	(xrf0) =	vmax.scan.msk.u32 $0xffff, v6  }
0x242: {  	[tilespmem:$0x4A0] =	vst v5  }
0x243: {  	[tilespmem:$0x4B0] =	vst v5  }
0x244: {  	s26 =	simm.s32 $0x480;
	[tilespmem:$0x4C0] =	vst v5  }
0x245: {  	[tilespmem:v4+s26+$0x0] =	vst.idx.msk vm0, v0  }
0x246: {  	v0 =	vld [tilespmem:$0x410]  }
0x247: {  	v49, _, _ =	vpop (xrf0)  }
0x248: {  	(v2sf) =	vpush v49, $0xF;
	_ =	sdelay $0x2  }
0x249: {  	(xrf0) =	vadd.scan.msk.s32 $0xffff, v0;
	_ =	sdelay $0x5  }
0x24a: {  	v50, _, _ =	vpop (xrf0)  }
0x24b: {  	v51 =	vxor.u32 $0x80000000, v50  }
0x24c: {  	(xrf0) =	vmax.scan.msk.u32 $0xffff, v51;
	_ =	sdelay $0x3  }
0x24d: {  	s2 =	spop (v2sf)  }
0x24e: {  	vm13 =	vgt.s32 v0, $0x0;
	v4 =	vsub.s32 v50, v0;
	s2 =	sxor.u32 $0x80000000, s2  }
0x24f: {  	v52 =	vadd.s32 s2, v4;
	v53, _, _ =	vpop (xrf0)  }
0x250: {  	(v2sf) =	vpush v53, $0xF;
	_ =	sdelay $0x3  }
0x251: {  	[tilespmem:v52+s26+$0x0] =	vst.idx.msk vm13, v3  }
0x252: {  	v0 =	vld [tilespmem:$0x420];
	_ =	sdelay $0x4  }
0x253: {  	(xrf0) =	vadd.scan.msk.s32 $0xffff, v0;
	_ =	sdelay $0x4  }
0x254: {  	s3 =	spop (v2sf)  }
0x255: {  	s2 =	sadd.s32 s3, s2;
	v54, _, _ =	vpop (xrf0)  }
0x256: {  	vm14 =	vgt.s32 v0, $0x0;
	s2 =	sadd.s32 $0x80000000, s2;
	v55 =	vsub.s32 v54, v0  }
0x257: {  	v56 =	vadd.s32 s2, v55;
	_ =	sdelay $0x4  }
0x258: {  	[tilespmem:v56+s26+$0x0] =	vst.idx.msk vm14, v2  }
0x259: {  	v0 =	vld [tilespmem:$0x430];
	_ =	sdelay $0x2  }
0x25a: {  	v57 =	vxor.u32 $0x80000000, v54  }
0x25b: {  	(xrf0) =	vmax.scan.msk.u32 $0xffff, v57  }
0x25c: {  	(xrf0) =	vadd.scan.msk.s32 $0xffff, v0;
	_ =	sdelay $0x4  }
0x25d: {  	v2, _, _ =	vpop (xrf0)  }
0x25e: {  	v58, _, _ =	vpop (xrf0)  }
0x25f: {  	v59 =	vxor.u32 $0x80000000, v58  }
0x260: {  	(xrf0) =	vmax.scan.msk.u32 $0xffff, v59;
	_ =	sdelay $0x1  }
0x261: {  	(v2sf) =	vpush v2, $0xF;
	_ =	sdelay $0x3  }
0x262: {  	v60, _, _ =	vpop (xrf0)  }
0x263: {  	(v2sf) =	vpush v60, $0xF;
	_ =	sdelay $0x9  }
0x264: {  	s28 =	spop (v2sf)  }
0x265: {  	s2 =	sadd.s32 s28, s2  }
0x266: {  	vm15 =	vgt.s32 v0, $0x0;
	v61 =	vsub.s32 v58, v0;
	s2 =	sadd.s32 $0x80000000, s2  }
0x267: {  	v62 =	vadd.s32 s2, v61;
	_ =	sdelay $0x1  }
0x268: {  	s29 =	spop (v2sf)  }
0x269: {  	s2 =	sadd.s32 s29, s2  }
0x26a: {  	s2 =	sadd.s32 $0x80000000, s2  }
0x26b: {  	[tilespmem:v62+s26+$0x0] =	vst.idx.msk vm15, v1;
	v63 =	vmov s2  }
0x26c: {  	s30 =	sadd.s32 $0x1000, s4;
	[tilespmem:$0x4C0] =	vst v63  }
0x26d: {  	[hbm4b:s30+s5] =	stream.linear.scatter [tilespmem:s26], [sflag:$0x2], $0x80, $0x38;
	[tilespmem:$0x500] =	vst v63  }
0x26e: {  	_ =	swait.ge [sflag:s24], $0x80  }
0x26f: {  	[sflag:s24] =	ssyncset.done $0x0  }
0x270: {  	[sflag:s24] =	ssyncadd.s32 $0xFFFFFF80  }
0x271: {  	_ =	sfence.sel $0x180000  }
0x272: {  	[bflag:$0x0] =	sbarrier.arrive $0xFFFF  }
0x273: {  	_ =	strace $0x90000047  }
0x274: {  	[bflag:$0x2] =	sbarrier.arrive $0xFFFF  }
0x275: {  	s31 =	rddreg [dreg:$0x3]  }
0x276: {  	s0 =	sadd.s32 $0x100000, s31  }
0x277: {  	[sflag:s0] =	ssyncadd.tile.s32 $0x1;
	_ =	shalt  }
.Lfunc_end2:
_tile_overlayer_lowered:
.L_overlay_start_2:
0x278: {  	(tag) =	ssettag $0x2  }
0x279: {  	s0 =	rddreg [dreg:$0x0];
	s2 =	stileid.u32  }
0x27a: {  	s1 =	rddreg [dreg:$0x1];
	p0 =	sne.s32 s2, $0x0  }
0x27b: {  	s3 =	rddreg [dreg:$0x2];
	[bflag:$0x3] =	sbarrier.arrive $0xFFFF;
	s2 =	simm.s32 @!p0 $0x1C02  }
0x27c: {  	[timem:s3], [sflag:s2] =	dma.local @!p0 [hbm:s0], s1  }
0x27d: {  	s0 =	simm.s32 @!p0 $0x2  }
0x27e: {  	_ =	swait.ge @!p0 [sflag:s0], s1  }
0x27f: {  	s1 =	ssub.s32 @!p0 $0x0, s1;
	[sflag:s0] =	ssyncset.done @!p0 $0x0  }
0x280: {  	[sflag:s0] =	ssyncadd.s32 @!p0 s1  }
0x281: {  	[bflag:$0x3] =	sbarrier.arrive $0xFFFF  }
0x282: {  	_ =	shalt  }

</sc_bundles>
